<compile_context>
chip_gen: v7x
topology: tpu7x:2x2x1
jax: 0.10.2.dev20260603
libtpu: 0.0.44.dev20260713+nightly
codegen_flags: <defaults>
</compile_context>

<pallas_src>
import functools

import jax
import jax.numpy as jnp
from jax import lax
from jax.experimental import pallas as pl
from jax.experimental.pallas import tpu as pltpu
from jax.experimental.pallas import tpu_sc as plsc

_B, _N, _K = 4, 2048, 16
_RB = 256
_NEG = -1e30
_NW = 32
_CH = 128


def _leaky(x):
    return jnp.where(x >= 0, x, 0.2 * x)


def _feat_body(xt_ref, wt_ref, a0_ref):
    xt = xt_ref[0]
    xb = xt.astype(jnp.bfloat16)
    wtb = wt_ref[...].astype(jnp.bfloat16)
    a0_ref[0] = jnp.dot(xb, wtb, preferred_element_type=jnp.float32)


def _feat(xt, wt):
    B, N, Cp = xt.shape
    Cout = wt.shape[1]
    return pl.pallas_call(
        _feat_body,
        grid=(B,),
        in_specs=[
            pl.BlockSpec((1, N, Cp), lambda i: (i, 0, 0)),
            pl.BlockSpec((Cp, Cout), lambda i: (0, 0)),
        ],
        out_specs=pl.BlockSpec((1, N, Cout), lambda i: (i, 0, 0)),
        out_shape=jax.ShapeDtypeStruct((B, N, Cout), jnp.float32),
    )(xt, wt)


def _knn_body(xt_ref, xx_ref, idx_ref):
    b = pl.program_id(0)
    nb = pl.program_id(1)
    xt = xt_ref[0]
    xx = xx_ref[0, 0]
    xr = xt_ref[0, pl.ds(nb * _RB, _RB), :]
    xxr = xx_ref[0, 0, pl.ds(nb * _RB, _RB)]
    xb = xt.astype(jnp.bfloat16)
    xrb = xr.astype(jnp.bfloat16)
    d = lax.dot_general(xrb, xb, (((1,), (1,)), ((), ())),
                        preferred_element_type=jnp.float32)
    val = 2.0 * d - xxr[:, None] - xx[None, :]
    iota = lax.broadcasted_iota(jnp.int32, (_RB, _N), 1)
    for t in range(_K):
        rmax = jnp.max(val, axis=1, keepdims=True)
        mi = jnp.where(val == rmax, iota, _N)
        cidx = jnp.min(mi, axis=1, keepdims=True)
        val = jnp.where(mi == cidx, _NEG, val)
        idx_ref[0, :, t] = cidx[:, 0] + b * _N


def _knn(xt, xx):
    B, N, Cp = xt.shape
    nb = N // _RB
    return pl.pallas_call(
        _knn_body,
        grid=(B, nb),
        in_specs=[
            pl.BlockSpec((1, N, Cp), lambda i, j: (i, 0, 0)),
            pl.BlockSpec((1, 1, N), lambda i, j: (i, 0, 0)),
        ],
        out_specs=pl.BlockSpec((1, _RB, _K), lambda i, j: (i, j, 0)),
        out_shape=jax.ShapeDtypeStruct((B, N, _K), jnp.int32),
    )(xt, xx)


def _sc_gather(table, idx):
    E = idx.shape[0]
    C = table.shape[1]
    per_w = E // _NW
    nch = per_w // _CH
    mesh = plsc.VectorSubcoreMesh(core_axis_name="c", subcore_axis_name="s")

    @functools.partial(
        pl.kernel, mesh=mesh,
        out_type=jax.ShapeDtypeStruct((E, C), jnp.float32),
        scratch_types=[
            pltpu.VMEM((_CH,), jnp.int32),
            pltpu.VMEM((_CH, C), jnp.float32),
            pltpu.SemaphoreType.DMA,
        ],
    )
    def k(table_hbm, idx_hbm, out_hbm, idx_v, rows_v, sem):
        wid = lax.axis_index("s") * 2 + lax.axis_index("c")
        base = wid * per_w

        def body(t, carry):
            off = base + t * _CH
            pltpu.sync_copy(idx_hbm.at[pl.ds(off, _CH)], idx_v)
            pltpu.async_copy(table_hbm.at[idx_v], rows_v, sem).wait()
            pltpu.sync_copy(rows_v, out_hbm.at[pl.ds(off, _CH)])
            return carry

        lax.fori_loop(0, nch, body, 0)

    return k(table, idx)


def _edge_body(nbr_ref, xt_ref, a0_ref, wb_ref, bias_ref, m_ref, s_ref, q_ref):
    nbr = nbr_ref[0]
    xc = xt_ref[0]
    C = xc.shape[1]
    nbr3 = nbr.reshape(_RB, _K, C)
    diff = (nbr3 - xc[:, None, :]).astype(jnp.bfloat16)
    wbb = wb_ref[...].astype(jnp.bfloat16)
    e = jnp.dot(diff.reshape(_RB * _K, C), wbb,
                preferred_element_type=jnp.float32)
    Cout = e.shape[1]
    h = (a0_ref[0][:, None, :] + e.reshape(_RB, _K, Cout)) + bias_ref[...][None]
    m_ref[0] = jnp.max(h, axis=1)
    s_ref[0] = jnp.sum(h, axis=1)
    q_ref[0] = jnp.sum(h * h, axis=1)


def _edge(nbr, xt, a0, wb, bias):
    B, N, Cp = xt.shape
    Cout = a0.shape[2]
    nb = N // _RB
    return pl.pallas_call(
        _edge_body,
        grid=(B, nb),
        in_specs=[
            pl.BlockSpec((1, _RB * _K, Cp), lambda i, j: (i, j, 0)),
            pl.BlockSpec((1, _RB, Cp), lambda i, j: (i, j, 0)),
            pl.BlockSpec((1, _RB, Cout), lambda i, j: (i, j, 0)),
            pl.BlockSpec((Cp, Cout), lambda i, j: (0, 0)),
            pl.BlockSpec((1, Cout), lambda i, j: (0, 0)),
        ],
        out_specs=[
            pl.BlockSpec((1, _RB, Cout), lambda i, j: (i, j, 0)),
            pl.BlockSpec((1, _RB, Cout), lambda i, j: (i, j, 0)),
            pl.BlockSpec((1, _RB, Cout), lambda i, j: (i, j, 0)),
        ],
        out_shape=[
            jax.ShapeDtypeStruct((B, N, Cout), jnp.float32),
            jax.ShapeDtypeStruct((B, N, Cout), jnp.float32),
            jax.ShapeDtypeStruct((B, N, Cout), jnp.float32),
        ],
    )(nbr, xt, a0, wb, bias)


def _stats_body(s_ref, q_ref, out_ref, acc):
    b = pl.program_id(0)

    @pl.when(b == 0)
    def _():
        acc[...] = jnp.zeros_like(acc)

    acc[0, :] = acc[0, :] + jnp.sum(s_ref[0], axis=0)
    acc[1, :] = acc[1, :] + jnp.sum(q_ref[0], axis=0)

    @pl.when(b == _B - 1)
    def _():
        cnt = jnp.float32(_B * _N * _K)
        mu = acc[0, :] / cnt
        var = acc[1, :] / cnt - mu * mu
        out_ref[0, :] = mu
        out_ref[1, :] = jnp.sqrt(var + 1e-5)


def _stats(s, q):
    B, N, Cout = s.shape
    return pl.pallas_call(
        _stats_body,
        grid=(B,),
        in_specs=[
            pl.BlockSpec((1, N, Cout), lambda i: (i, 0, 0)),
            pl.BlockSpec((1, N, Cout), lambda i: (i, 0, 0)),
        ],
        out_specs=pl.BlockSpec((2, Cout), lambda i: (0, 0)),
        out_shape=jax.ShapeDtypeStruct((2, Cout), jnp.float32),
        scratch_shapes=[pltpu.VMEM((2, Cout), jnp.float32)],
    )(s, q)


def _apply_body(m_ref, ss_ref, g_ref, be_ref, o_ref):
    t = m_ref[0] - ss_ref[0, :][None, :]
    u = t / ss_ref[1, :][None, :]
    v = u * g_ref[...]
    o_ref[0] = _leaky(v + be_ref[...])


def _apply(m, ss, g, be):
    B, N, Cout = m.shape
    return pl.pallas_call(
        _apply_body,
        grid=(B,),
        in_specs=[
            pl.BlockSpec((1, N, Cout), lambda i: (i, 0, 0)),
            pl.BlockSpec((2, Cout), lambda i: (0, 0)),
            pl.BlockSpec((1, Cout), lambda i: (0, 0)),
            pl.BlockSpec((1, Cout), lambda i: (0, 0)),
        ],
        out_specs=pl.BlockSpec((1, N, Cout), lambda i: (i, 0, 0)),
        out_shape=jax.ShapeDtypeStruct((B, N, Cout), jnp.float32),
    )(m, ss, g, be)


def _head_body(x_ref, w1_ref, b1_ref, w2_ref, b2_ref, w3_ref, b3_ref, o_ref):
    def mm(u, w_ref):
        return jnp.dot(u.astype(jnp.bfloat16), w_ref[...].astype(jnp.bfloat16),
                       preferred_element_type=jnp.float32)

    gf = jnp.max(x_ref[...], axis=1)
    h = _leaky(mm(gf, w1_ref) + b1_ref[...])
    h = _leaky(mm(h, w2_ref) + b2_ref[...])
    z = mm(h, w3_ref) + b3_ref[...]
    o_ref[...] = 1.0 / (1.0 + jnp.exp(-z))


def _head(x, w1, b1, w2, b2, w3p, b3p):
    B, N, C = x.shape
    return pl.pallas_call(
        _head_body,
        grid=(1,),
        in_specs=[
            pl.BlockSpec((B, N, C), lambda i: (0, 0, 0)),
            pl.BlockSpec(w1.shape, lambda i: (0, 0)),
            pl.BlockSpec(b1.shape, lambda i: (0, 0)),
            pl.BlockSpec(w2.shape, lambda i: (0, 0)),
            pl.BlockSpec(b2.shape, lambda i: (0, 0)),
            pl.BlockSpec(w3p.shape, lambda i: (0, 0)),
            pl.BlockSpec(b3p.shape, lambda i: (0, 0)),
        ],
        out_specs=pl.BlockSpec((B, 128), lambda i: (0, 0)),
        out_shape=jax.ShapeDtypeStruct((B, 128), jnp.float32),
    )(x, w1, b1, w2, b2, w3p, b3p)


def _edge_layer(xt, W, b, g, be, cin):
    wt = jnp.pad(W[:cin], ((0, 128 - cin), (0, 0)))
    wb = jnp.pad(W[cin:], ((0, 128 - cin), (0, 0)))
    B, N, Cp = xt.shape
    a0 = _feat(xt, wt)
    x_cn = jnp.transpose(xt[:, :, :cin], (0, 2, 1))
    xx = jnp.sum(x_cn * x_cn, axis=1).reshape(B, 1, N)
    idx = _knn(xt, xx)
    nbr = _sc_gather(xt.reshape(B * N, Cp), idx.reshape(-1))
    nbr = nbr.reshape(B, N * _K, Cp)
    m, s, q = _edge(nbr, xt, a0, wb, b.reshape(1, -1))
    ss = _stats(s, q)
    return _apply(m, ss, g.reshape(1, -1), be.reshape(1, -1))


def kernel(point_cloud, W1, b1, g1, be1, W2, b2, g2, be2, W3, b3, g3, be3,
           LW1, Lb1, LW2, Lb2, LW3, Lb3):
    xt = jnp.transpose(point_cloud, (0, 2, 1))
    xt = jnp.pad(xt, ((0, 0), (0, 0), (0, 125)))
    xt = _edge_layer(xt, W1, b1, g1, be1, 3)
    xt = jnp.pad(xt, ((0, 0), (0, 0), (0, 64)))
    xt = _edge_layer(xt, W2, b2, g2, be2, 64)
    xt = _edge_layer(xt, W3, b3, g3, be3, 128)
    w3p = jnp.pad(LW3, ((0, 0), (0, 127)))
    b3p = jnp.pad(Lb3, ((0, 127))).reshape(1, 128)
    out = _head(xt, LW1, Lb1.reshape(1, -1), LW2, Lb2.reshape(1, -1), w3p, b3p)
    return out[:, :1]

# --- scband reference (transcript-rebuilt; emitter-appended) ---
"""Pipeline reference for scband-point-cloud-discriminator-76184129897207 (READ-ONLY COPY).

The authoritative reference and input builder live on the scoring server;
editing this copy changes nothing except your own understanding.
"""

import jax, jax.numpy as jnp
import numpy as np

B, N, K = 4, 2048, 16


def _knn_idx(x, k):
    # x: (B, C, N) -> idx (B, N, k), neighbors by smallest squared distance (self included)
    inner = -2.0 * jnp.einsum('bcn,bcm->bnm', x, x)
    xx = jnp.sum(x * x, axis=1)  # (B, N)
    neg_dist = -xx[:, :, None] - inner - xx[:, None, :]  # (B, N, N) = -||xi-xj||^2
    _, idx = jax.lax.top_k(neg_dist, k)
    return idx


def _leaky(x):
    return jnp.where(x >= 0, x, 0.2 * x)


def _edge_conv(x, W, b, g, be, k):
    # x: (B, C, N); W: (2C, Cout)
    idx = _knn_idx(x, k)
    x_t = jnp.transpose(x, (0, 2, 1))  # (B, N, C)
    nbr = jax.vmap(lambda xt, id_: xt[id_])(x_t, idx)  # (B, N, k, C)
    center = jnp.broadcast_to(x_t[:, :, None, :], nbr.shape)
    edge = jnp.concatenate([center, nbr - center], axis=-1)  # (B, N, k, 2C)
    h = edge @ W + b  # 1x1 conv == matmul over channel dim
    # BatchNorm (training-mode batch statistics over B, N, k)
    mu = jnp.mean(h, axis=(0, 1, 2), keepdims=True)
    var = jnp.var(h, axis=(0, 1, 2), keepdims=True)
    h = (h - mu) / jnp.sqrt(var + 1e-5) * g + be
    h = _leaky(h)
    h = jnp.max(h, axis=2)  # (B, N, Cout) max over neighbors
    return jnp.transpose(h, (0, 2, 1))  # (B, Cout, N)


def setup_inputs(seed: int = 0) -> dict:
    key = jax.random.key(seed)
    ks = jax.random.split(key, 8)

    def p(i, shape, s=0.1):
        return (jax.random.normal(ks[i], shape, dtype=jnp.float32) * s).astype(jnp.float32)

    f32 = jnp.float32
    return {
        'point_cloud': jax.random.normal(ks[0], (B, 3, N), dtype=f32),
        'W1': p(1, (6, 64)), 'b1': jnp.zeros((64,), f32), 'g1': jnp.ones((64,), f32), 'be1': jnp.zeros((64,), f32),
        'W2': p(2, (128, 128)), 'b2': jnp.zeros((128,), f32), 'g2': jnp.ones((128,), f32), 'be2': jnp.zeros((128,), f32),
        'W3': p(3, (256, 256)), 'b3': jnp.zeros((256,), f32), 'g3': jnp.ones((256,), f32), 'be3': jnp.zeros((256,), f32),
        'LW1': p(4, (256, 128)), 'Lb1': jnp.zeros((128,), f32),
        'LW2': p(5, (128, 64)), 'Lb2': jnp.zeros((64,), f32),
        'LW3': p(6, (64, 1)), 'Lb3': jnp.zeros((1,), f32),
    }


def reference(point_cloud, W1, b1, g1, be1, W2, b2, g2, be2, W3, b3, g3, be3, LW1, Lb1, LW2, Lb2, LW3, Lb3):
    x = point_cloud  # (B, 3, N)
    x = _edge_conv(x, W1, b1, g1, be1, K)
    x = _edge_conv(x, W2, b2, g2, be2, K)
    x = _edge_conv(x, W3, b3, g3, be3, K)
    gf = jnp.max(x, axis=2)  # AdaptiveMaxPool1d(1) -> (B, 256)
    h = _leaky(gf @ LW1 + Lb1)  # dropout is identity at eval
    h = _leaky(h @ LW2 + Lb2)
    prob = jax.nn.sigmoid(h @ LW3 + Lb3)  # (B, 1)
    return prob

if __name__ == "__main__":
    import jax
    _d = setup_inputs()
    print(jax.jit(kernel)(*tuple(_d.values())))

</pallas_src>

<mosaic_0001>
#map = affine_map<(d0, d1) -> (0, 0)>
#map1 = affine_map<(d0, d1) -> (0)>
module attributes {stable_mosaic.version = 14 : i64} {
  func.func @k(%arg0: i32, %arg1: i32, %arg2: memref<8192x128xf32, #tpu.memory_space<hbm>>, %arg3: memref<131072xi32, #tpu.memory_space<hbm>>, %arg4: memref<131072x128xf32, #tpu.memory_space<hbm>>, %arg5: memref<128xi32, #tpu.memory_space<vmem>>, %arg6: memref<128x128xf32, #tpu.memory_space<vmem>>, %arg7: memref<!tpu.dma_semaphore, #tpu.memory_space<semaphore_mem>>) attributes {dimension_semantics = [#tpu.dimension_semantics<core_parallel>, #tpu.dimension_semantics<subcore_parallel>], iteration_bounds = array<i64: 2, 16>, scalar_prefetch = 0 : i64, scratch_operands = 3 : i64, tpu.core_type = #tpu.core_type<sc_vector_subcore>, window_params = [{transform_indices = #map}, {transform_indices = #map1}, {transform_indices = #map}]} {
    %mul3A = arith.constant 2 : i32
    %mul3A_0 = arith.muli %arg1, %mul3A : i32
    %add3A = arith.addi %mul3A_0, %arg0 : i32
    %mul3A_1 = arith.constant 4096 : i32
    %mul3A_2 = arith.muli %add3A, %mul3A_1 : i32
    %scan3A = arith.constant 0 : i32
    %scan3A_3 = arith.constant 0 : i32
    %scan3A_4 = arith.constant 32 : i32
    %scan3A_5 = arith.addi %scan3A_3, %scan3A_4 : i32
    %scan3A_6 = arith.constant 1 : i32
    scf.for %scan3A_8 = %scan3A_3 to %scan3A_5 step %scan3A_6  : i32 {
      %mul3A_9 = arith.constant 128 : i32
      %mul3A_10 = arith.muli %scan3A_8, %mul3A_9 : i32
      %add3A_11 = arith.addi %mul3A_2, %mul3A_10 : i32
      "tpu.region"() ({
        %run_scoped3A = tpu.sem_alloc : memref<!tpu.dma_semaphore, #tpu.memory_space<semaphore_mem>>
        %dma_start3A_16 = tpu.memref_slice %arg3[%add3A_11] : memref<131072xi32, #tpu.memory_space<hbm>> -> memref<128xi32, #tpu.memory_space<hbm>>
        %dma_start3A_17 = tpu.memref_slice %arg3[%add3A_11] : memref<131072xi32, #tpu.memory_space<hbm>> -> memref<128xi32, #tpu.memory_space<hbm>>
        tpu.enqueue_dma source(%dma_start3A_17 : memref<128xi32, #tpu.memory_space<hbm>>) target(%arg5 : memref<128xi32, #tpu.memory_space<vmem>>) target_semaphore(%run_scoped3A : memref<!tpu.dma_semaphore, #tpu.memory_space<semaphore_mem>>)
        %dma_wait3A_18 = tpu.memref_slice %arg3[%add3A_11] : memref<131072xi32, #tpu.memory_space<hbm>> -> memref<128xi32, #tpu.memory_space<hbm>>
        %dma_wait3A_19 = tpu.memref_slice %arg3[%add3A_11] : memref<131072xi32, #tpu.memory_space<hbm>> -> memref<128xi32, #tpu.memory_space<hbm>>
        tpu.wait_dma2 semaphore(%run_scoped3A : memref<!tpu.dma_semaphore, #tpu.memory_space<semaphore_mem>>) src(%dma_wait3A_19 : memref<128xi32, #tpu.memory_space<hbm>>) dst(%arg5 : memref<128xi32, #tpu.memory_space<vmem>>)
        tpu.yield
      }) : () -> ()
      %dma_start3A = arith.constant 0 : i32
      %dma_start3A_12 = arith.constant 0 : i32
      %dma_start3A_13 = tpu.memref_slice %arg2[%dma_start3A, %dma_start3A_12] : memref<8192x128xf32, #tpu.memory_space<hbm>> -> memref<8192x128xf32, #tpu.memory_space<hbm>>
      tpu.enqueue_indirect_dma source(%dma_start3A_13 : memref<8192x128xf32, #tpu.memory_space<hbm>>) target(%arg6 : memref<128x128xf32, #tpu.memory_space<vmem>>) offsets(%arg5 : memref<128xi32, #tpu.memory_space<vmem>>) semaphore(%arg7 : memref<!tpu.dma_semaphore, #tpu.memory_space<semaphore_mem>>)
      %dma_wait3A = arith.constant 0 : i32
      %dma_wait3A_14 = arith.constant 0 : i32
      %dma_wait3A_15 = tpu.memref_slice %arg2[%dma_wait3A, %dma_wait3A_14] : memref<8192x128xf32, #tpu.memory_space<hbm>> -> memref<8192x128xf32, #tpu.memory_space<hbm>>
      tpu.wait_indirect_dma semaphore(%arg7 : memref<!tpu.dma_semaphore, #tpu.memory_space<semaphore_mem>>) src(%dma_wait3A_15 : memref<8192x128xf32, #tpu.memory_space<hbm>>) dst(%arg6 : memref<128x128xf32, #tpu.memory_space<vmem>>)
      "tpu.region"() ({
        %run_scoped3A = tpu.sem_alloc : memref<!tpu.dma_semaphore, #tpu.memory_space<semaphore_mem>>
        %dma_start3A_16 = arith.constant 0 : i32
        %dma_start3A_17 = tpu.memref_slice %arg4[%add3A_11, %dma_start3A_16] : memref<131072x128xf32, #tpu.memory_space<hbm>> -> memref<128x128xf32, #tpu.memory_space<hbm>>
        %dma_start3A_18 = arith.constant 0 : i32
        %dma_start3A_19 = tpu.memref_slice %arg4[%add3A_11, %dma_start3A_18] : memref<131072x128xf32, #tpu.memory_space<hbm>> -> memref<128x128xf32, #tpu.memory_space<hbm>>
        tpu.enqueue_dma source(%arg6 : memref<128x128xf32, #tpu.memory_space<vmem>>) target(%dma_start3A_19 : memref<128x128xf32, #tpu.memory_space<hbm>>) target_semaphore(%run_scoped3A : memref<!tpu.dma_semaphore, #tpu.memory_space<semaphore_mem>>)
        %dma_wait3A_20 = arith.constant 0 : i32
        %dma_wait3A_21 = tpu.memref_slice %arg4[%add3A_11, %dma_wait3A_20] : memref<131072x128xf32, #tpu.memory_space<hbm>> -> memref<128x128xf32, #tpu.memory_space<hbm>>
        %dma_wait3A_22 = arith.constant 0 : i32
        %dma_wait3A_23 = tpu.memref_slice %arg4[%add3A_11, %dma_wait3A_22] : memref<131072x128xf32, #tpu.memory_space<hbm>> -> memref<128x128xf32, #tpu.memory_space<hbm>>
        tpu.wait_dma2 semaphore(%run_scoped3A : memref<!tpu.dma_semaphore, #tpu.memory_space<semaphore_mem>>) src(%arg6 : memref<128x128xf32, #tpu.memory_space<vmem>>) dst(%dma_wait3A_23 : memref<128x128xf32, #tpu.memory_space<hbm>>)
        tpu.yield
      }) : () -> ()
    }
    %scan3A_7 = arith.constant 32 : i32
    return
  }
}

#map = affine_map<(d0, d1) -> (0, 0)>
#map1 = affine_map<(d0, d1) -> (0)>
module attributes {stable_mosaic.version = 14 : i64} {
  func.func @k(%arg0: i32, %arg1: i32, %arg2: memref<8192x128xf32, #tpu.memory_space<hbm>>, %arg3: memref<131072xi32, #tpu.memory_space<hbm>>, %arg4: memref<131072x128xf32, #tpu.memory_space<hbm>>, %arg5: memref<128xi32, #tpu.memory_space<vmem>>, %arg6: memref<128x128xf32, #tpu.memory_space<vmem>>, %arg7: memref<!tpu.dma_semaphore, #tpu.memory_space<semaphore_mem>>) attributes {dimension_semantics = [#tpu.dimension_semantics<core_parallel>, #tpu.dimension_semantics<subcore_parallel>], iteration_bounds = array<i64: 2, 16>, scalar_prefetch = 0 : i64, scratch_operands = 3 : i64, tpu.core_type = #tpu.core_type<sc_vector_subcore>, window_params = [{transform_indices = #map}, {transform_indices = #map1}, {transform_indices = #map}]} {
    %mul3A = arith.constant 2 : i32
    %mul3A_0 = arith.muli %arg1, %mul3A : i32
    %add3A = arith.addi %mul3A_0, %arg0 : i32
    %mul3A_1 = arith.constant 4096 : i32
    %mul3A_2 = arith.muli %add3A, %mul3A_1 : i32
    %scan3A = arith.constant 0 : i32
    %scan3A_3 = arith.constant 0 : i32
    %scan3A_4 = arith.constant 32 : i32
    %scan3A_5 = arith.addi %scan3A_3, %scan3A_4 : i32
    %scan3A_6 = arith.constant 1 : i32
    scf.for %scan3A_8 = %scan3A_3 to %scan3A_5 step %scan3A_6  : i32 {
      %mul3A_9 = arith.constant 128 : i32
      %mul3A_10 = arith.muli %scan3A_8, %mul3A_9 : i32
      %add3A_11 = arith.addi %mul3A_2, %mul3A_10 : i32
      "tpu.region"() ({
        %run_scoped3A = tpu.sem_alloc : memref<!tpu.dma_semaphore, #tpu.memory_space<semaphore_mem>>
        %dma_start3A_16 = tpu.memref_slice %arg3[%add3A_11] : memref<131072xi32, #tpu.memory_space<hbm>> -> memref<128xi32, #tpu.memory_space<hbm>>
        %dma_start3A_17 = tpu.memref_slice %arg3[%add3A_11] : memref<131072xi32, #tpu.memory_space<hbm>> -> memref<128xi32, #tpu.memory_space<hbm>>
        tpu.enqueue_dma source(%dma_start3A_17 : memref<128xi32, #tpu.memory_space<hbm>>) target(%arg5 : memref<128xi32, #tpu.memory_space<vmem>>) target_semaphore(%run_scoped3A : memref<!tpu.dma_semaphore, #tpu.memory_space<semaphore_mem>>)
        %dma_wait3A_18 = tpu.memref_slice %arg3[%add3A_11] : memref<131072xi32, #tpu.memory_space<hbm>> -> memref<128xi32, #tpu.memory_space<hbm>>
        %dma_wait3A_19 = tpu.memref_slice %arg3[%add3A_11] : memref<131072xi32, #tpu.memory_space<hbm>> -> memref<128xi32, #tpu.memory_space<hbm>>
        tpu.wait_dma2 semaphore(%run_scoped3A : memref<!tpu.dma_semaphore, #tpu.memory_space<semaphore_mem>>) src(%dma_wait3A_19 : memref<128xi32, #tpu.memory_space<hbm>>) dst(%arg5 : memref<128xi32, #tpu.memory_space<vmem>>)
        tpu.yield
      }) : () -> ()
      %dma_start3A = arith.constant 0 : i32
      %dma_start3A_12 = arith.constant 0 : i32
      %dma_start3A_13 = tpu.memref_slice %arg2[%dma_start3A, %dma_start3A_12] : memref<8192x128xf32, #tpu.memory_space<hbm>> -> memref<8192x128xf32, #tpu.memory_space<hbm>>
      tpu.enqueue_indirect_dma source(%dma_start3A_13 : memref<8192x128xf32, #tpu.memory_space<hbm>>) target(%arg6 : memref<128x128xf32, #tpu.memory_space<vmem>>) offsets(%arg5 : memref<128xi32, #tpu.memory_space<vmem>>) semaphore(%arg7 : memref<!tpu.dma_semaphore, #tpu.memory_space<semaphore_mem>>)
      %dma_wait3A = arith.constant 0 : i32
      %dma_wait3A_14 = arith.constant 0 : i32
      %dma_wait3A_15 = tpu.memref_slice %arg2[%dma_wait3A, %dma_wait3A_14] : memref<8192x128xf32, #tpu.memory_space<hbm>> -> memref<8192x128xf32, #tpu.memory_space<hbm>>
      tpu.wait_indirect_dma semaphore(%arg7 : memref<!tpu.dma_semaphore, #tpu.memory_space<semaphore_mem>>) src(%dma_wait3A_15 : memref<8192x128xf32, #tpu.memory_space<hbm>>) dst(%arg6 : memref<128x128xf32, #tpu.memory_space<vmem>>)
      "tpu.region"() ({
        %run_scoped3A = tpu.sem_alloc : memref<!tpu.dma_semaphore, #tpu.memory_space<semaphore_mem>>
        %dma_start3A_16 = arith.constant 0 : i32
        %dma_start3A_17 = tpu.memref_slice %arg4[%add3A_11, %dma_start3A_16] : memref<131072x128xf32, #tpu.memory_space<hbm>> -> memref<128x128xf32, #tpu.memory_space<hbm>>
        %dma_start3A_18 = arith.constant 0 : i32
        %dma_start3A_19 = tpu.memref_slice %arg4[%add3A_11, %dma_start3A_18] : memref<131072x128xf32, #tpu.memory_space<hbm>> -> memref<128x128xf32, #tpu.memory_space<hbm>>
        tpu.enqueue_dma source(%arg6 : memref<128x128xf32, #tpu.memory_space<vmem>>) target(%dma_start3A_19 : memref<128x128xf32, #tpu.memory_space<hbm>>) target_semaphore(%run_scoped3A : memref<!tpu.dma_semaphore, #tpu.memory_space<semaphore_mem>>)
        %dma_wait3A_20 = arith.constant 0 : i32
        %dma_wait3A_21 = tpu.memref_slice %arg4[%add3A_11, %dma_wait3A_20] : memref<131072x128xf32, #tpu.memory_space<hbm>> -> memref<128x128xf32, #tpu.memory_space<hbm>>
        %dma_wait3A_22 = arith.constant 0 : i32
        %dma_wait3A_23 = tpu.memref_slice %arg4[%add3A_11, %dma_wait3A_22] : memref<131072x128xf32, #tpu.memory_space<hbm>> -> memref<128x128xf32, #tpu.memory_space<hbm>>
        tpu.wait_dma2 semaphore(%run_scoped3A : memref<!tpu.dma_semaphore, #tpu.memory_space<semaphore_mem>>) src(%arg6 : memref<128x128xf32, #tpu.memory_space<vmem>>) dst(%dma_wait3A_23 : memref<128x128xf32, #tpu.memory_space<hbm>>)
        tpu.yield
      }) : () -> ()
    }
    %scan3A_7 = arith.constant 32 : i32
    return
  }
}

#map = affine_map<(d0, d1) -> (0, 0)>
#map1 = affine_map<(d0, d1) -> (0)>
module attributes {stable_mosaic.version = 14 : i64} {
  func.func @k(%arg0: i32, %arg1: i32, %arg2: memref<8192x128xf32, #tpu.memory_space<hbm>>, %arg3: memref<131072xi32, #tpu.memory_space<hbm>>, %arg4: memref<131072x128xf32, #tpu.memory_space<hbm>>, %arg5: memref<128xi32, #tpu.memory_space<vmem>>, %arg6: memref<128x128xf32, #tpu.memory_space<vmem>>, %arg7: memref<!tpu.dma_semaphore, #tpu.memory_space<semaphore_mem>>) attributes {dimension_semantics = [#tpu.dimension_semantics<core_parallel>, #tpu.dimension_semantics<subcore_parallel>], iteration_bounds = array<i64: 2, 16>, scalar_prefetch = 0 : i64, scratch_operands = 3 : i64, tpu.core_type = #tpu.core_type<sc_vector_subcore>, window_params = [{transform_indices = #map}, {transform_indices = #map1}, {transform_indices = #map}]} {
    %mul3A = arith.constant 2 : i32
    %mul3A_0 = arith.muli %arg1, %mul3A : i32
    %add3A = arith.addi %mul3A_0, %arg0 : i32
    %mul3A_1 = arith.constant 4096 : i32
    %mul3A_2 = arith.muli %add3A, %mul3A_1 : i32
    %scan3A = arith.constant 0 : i32
    %scan3A_3 = arith.constant 0 : i32
    %scan3A_4 = arith.constant 32 : i32
    %scan3A_5 = arith.addi %scan3A_3, %scan3A_4 : i32
    %scan3A_6 = arith.constant 1 : i32
    scf.for %scan3A_8 = %scan3A_3 to %scan3A_5 step %scan3A_6  : i32 {
      %mul3A_9 = arith.constant 128 : i32
      %mul3A_10 = arith.muli %scan3A_8, %mul3A_9 : i32
      %add3A_11 = arith.addi %mul3A_2, %mul3A_10 : i32
      "tpu.region"() ({
        %run_scoped3A = tpu.sem_alloc : memref<!tpu.dma_semaphore, #tpu.memory_space<semaphore_mem>>
        %dma_start3A_16 = tpu.memref_slice %arg3[%add3A_11] : memref<131072xi32, #tpu.memory_space<hbm>> -> memref<128xi32, #tpu.memory_space<hbm>>
        %dma_start3A_17 = tpu.memref_slice %arg3[%add3A_11] : memref<131072xi32, #tpu.memory_space<hbm>> -> memref<128xi32, #tpu.memory_space<hbm>>
        tpu.enqueue_dma source(%dma_start3A_17 : memref<128xi32, #tpu.memory_space<hbm>>) target(%arg5 : memref<128xi32, #tpu.memory_space<vmem>>) target_semaphore(%run_scoped3A : memref<!tpu.dma_semaphore, #tpu.memory_space<semaphore_mem>>)
        %dma_wait3A_18 = tpu.memref_slice %arg3[%add3A_11] : memref<131072xi32, #tpu.memory_space<hbm>> -> memref<128xi32, #tpu.memory_space<hbm>>
        %dma_wait3A_19 = tpu.memref_slice %arg3[%add3A_11] : memref<131072xi32, #tpu.memory_space<hbm>> -> memref<128xi32, #tpu.memory_space<hbm>>
        tpu.wait_dma2 semaphore(%run_scoped3A : memref<!tpu.dma_semaphore, #tpu.memory_space<semaphore_mem>>) src(%dma_wait3A_19 : memref<128xi32, #tpu.memory_space<hbm>>) dst(%arg5 : memref<128xi32, #tpu.memory_space<vmem>>)
        tpu.yield
      }) : () -> ()
      %dma_start3A = arith.constant 0 : i32
      %dma_start3A_12 = arith.constant 0 : i32
      %dma_start3A_13 = tpu.memref_slice %arg2[%dma_start3A, %dma_start3A_12] : memref<8192x128xf32, #tpu.memory_space<hbm>> -> memref<8192x128xf32, #tpu.memory_space<hbm>>
      tpu.enqueue_indirect_dma source(%dma_start3A_13 : memref<8192x128xf32, #tpu.memory_space<hbm>>) target(%arg6 : memref<128x128xf32, #tpu.memory_space<vmem>>) offsets(%arg5 : memref<128xi32, #tpu.memory_space<vmem>>) semaphore(%arg7 : memref<!tpu.dma_semaphore, #tpu.memory_space<semaphore_mem>>)
      %dma_wait3A = arith.constant 0 : i32
      %dma_wait3A_14 = arith.constant 0 : i32
      %dma_wait3A_15 = tpu.memref_slice %arg2[%dma_wait3A, %dma_wait3A_14] : memref<8192x128xf32, #tpu.memory_space<hbm>> -> memref<8192x128xf32, #tpu.memory_space<hbm>>
      tpu.wait_indirect_dma semaphore(%arg7 : memref<!tpu.dma_semaphore, #tpu.memory_space<semaphore_mem>>) src(%dma_wait3A_15 : memref<8192x128xf32, #tpu.memory_space<hbm>>) dst(%arg6 : memref<128x128xf32, #tpu.memory_space<vmem>>)
      "tpu.region"() ({
        %run_scoped3A = tpu.sem_alloc : memref<!tpu.dma_semaphore, #tpu.memory_space<semaphore_mem>>
        %dma_start3A_16 = arith.constant 0 : i32
        %dma_start3A_17 = tpu.memref_slice %arg4[%add3A_11, %dma_start3A_16] : memref<131072x128xf32, #tpu.memory_space<hbm>> -> memref<128x128xf32, #tpu.memory_space<hbm>>
        %dma_start3A_18 = arith.constant 0 : i32
        %dma_start3A_19 = tpu.memref_slice %arg4[%add3A_11, %dma_start3A_18] : memref<131072x128xf32, #tpu.memory_space<hbm>> -> memref<128x128xf32, #tpu.memory_space<hbm>>
        tpu.enqueue_dma source(%arg6 : memref<128x128xf32, #tpu.memory_space<vmem>>) target(%dma_start3A_19 : memref<128x128xf32, #tpu.memory_space<hbm>>) target_semaphore(%run_scoped3A : memref<!tpu.dma_semaphore, #tpu.memory_space<semaphore_mem>>)
        %dma_wait3A_20 = arith.constant 0 : i32
        %dma_wait3A_21 = tpu.memref_slice %arg4[%add3A_11, %dma_wait3A_20] : memref<131072x128xf32, #tpu.memory_space<hbm>> -> memref<128x128xf32, #tpu.memory_space<hbm>>
        %dma_wait3A_22 = arith.constant 0 : i32
        %dma_wait3A_23 = tpu.memref_slice %arg4[%add3A_11, %dma_wait3A_22] : memref<131072x128xf32, #tpu.memory_space<hbm>> -> memref<128x128xf32, #tpu.memory_space<hbm>>
        tpu.wait_dma2 semaphore(%run_scoped3A : memref<!tpu.dma_semaphore, #tpu.memory_space<semaphore_mem>>) src(%arg6 : memref<128x128xf32, #tpu.memory_space<vmem>>) dst(%dma_wait3A_23 : memref<128x128xf32, #tpu.memory_space<hbm>>)
        tpu.yield
      }) : () -> ()
    }
    %scan3A_7 = arith.constant 32 : i32
    return
  }
}

module attributes {stable_mosaic.version = 14 : i64} {
  func.func @_knn_body(%arg0: i32, %arg1: i32, %arg2: memref<1x2048x128xf32, #tpu.memory_space<vmem>>, %arg3: memref<1x1x2048xf32, #tpu.memory_space<vmem>>, %arg4: memref<1x256x16xi32, #tpu.memory_space<vmem>>) attributes {dimension_semantics = [#tpu.dimension_semantics<arbitrary>, #tpu.dimension_semantics<arbitrary>], iteration_bounds = array<i64: 4, 8>, scalar_prefetch = 0 : i64, scratch_operands = 0 : i64, tpu.core_type = #tpu.core_type<tc>, window_params = [{transform_indices = @transform_0, window_bounds = array<i64: 1, 2048, 128>}, {transform_indices = @transform_1, window_bounds = array<i64: 1, 1, 2048>}, {transform_indices = @transform_2, window_bounds = array<i64: 1, 256, 16>}]} {
    %get3A = arith.constant 0 : index
    %get3A_0 = arith.constant 0 : index
    %get3A_1 = arith.constant 0 : index
    %get3A_2 = vector.load %arg2[%get3A, %get3A_0, %get3A_1] : memref<1x2048x128xf32, #tpu.memory_space<vmem>>, vector<1x2048x128xf32>
    %get3A_3 = vector.shape_cast %get3A_2 : vector<1x2048x128xf32> to vector<2048x128xf32>
    %get3A_4 = arith.constant 0 : index
    %get3A_5 = arith.constant 0 : index
    %get3A_6 = arith.constant 0 : index
    %get3A_7 = vector.load %arg3[%get3A_4, %get3A_5, %get3A_6] : memref<1x1x2048xf32, #tpu.memory_space<vmem>>, vector<1x1x2048xf32>
    %get3A_8 = vector.shape_cast %get3A_7 : vector<1x1x2048xf32> to vector<2048xf32>
    %mul3A = arith.constant 256 : i32
    %mul3A_9 = arith.muli %arg1, %mul3A : i32
    %get3A_10 = arith.constant 0 : index
    %get3A_11 = arith.index_cast %mul3A_9 : i32 to index
    %get3A_12 = arith.constant 0 : index
    %get3A_13 = vector.load %arg2[%get3A_10, %get3A_11, %get3A_12] : memref<1x2048x128xf32, #tpu.memory_space<vmem>>, vector<1x256x128xf32>
    %get3A_14 = vector.shape_cast %get3A_13 : vector<1x256x128xf32> to vector<256x128xf32>
    %mul3A_15 = arith.constant 256 : i32
    %mul3A_16 = arith.muli %arg1, %mul3A_15 : i32
    %get3A_17 = arith.constant 0 : index
    %get3A_18 = arith.constant 0 : index
    %get3A_19 = arith.index_cast %mul3A_16 : i32 to index
    %get3A_20 = vector.load %arg3[%get3A_17, %get3A_18, %get3A_19] : memref<1x1x2048xf32, #tpu.memory_space<vmem>>, vector<1x1x256xf32>
    %get3A_21 = vector.shape_cast %get3A_20 : vector<1x1x256xf32> to vector<256xf32>
    %convert_element_type3A = arith.truncf %get3A_3 : vector<2048x128xf32> to vector<2048x128xbf16>
    %convert_element_type3A_22 = arith.truncf %get3A_14 : vector<256x128xf32> to vector<256x128xbf16>
    %dot_general3A = arith.constant dense<0.000000e+00> : vector<256x2048xf32>
    %dot_general3A_23 = tpu.matmul %convert_element_type3A_22, %convert_element_type3A, %dot_general3A {dimension_numbers = #tpu.dot_dimension_numbers<[1], [1], [0], [0], [0, 0, 1, 0], [], []>, transpose_lhs_hint = false} : vector<256x128xbf16>, vector<2048x128xbf16>, vector<256x2048xf32> -> vector<256x2048xf32>
    %mul3A_24 = arith.constant 2.000000e+00 : f32
    %mul3A_25 = vector.broadcast %mul3A_24 : f32 to vector<256x2048xf32>
    %mul3A_26 = arith.mulf %mul3A_25, %dot_general3A_23 : vector<256x2048xf32>
    %broadcast_in_dim3A = vector.shape_cast %get3A_21 : vector<256xf32> to vector<256x1xf32>
    %sub3A = vector.broadcast %broadcast_in_dim3A : vector<256x1xf32> to vector<256x2048xf32>
    %sub3A_27 = arith.subf %mul3A_26, %sub3A : vector<256x2048xf32>
    %broadcast_in_dim3A_28 = vector.shape_cast %get3A_8 : vector<2048xf32> to vector<1x2048xf32>
    %sub3A_29 = vector.broadcast %broadcast_in_dim3A_28 : vector<1x2048xf32> to vector<256x2048xf32>
    %sub3A_30 = arith.subf %sub3A_27, %sub3A_29 : vector<256x2048xf32>
    %iota3A = tpu.iota {dimensions = array<i32: 1>} : vector<256x2048xi32>
    %reduce_max3A = arith.constant dense<0xFF800000> : vector<256xf32>
    %reduce_max3A_31 = vector.multi_reduction <maximumf>, %sub3A_30, %reduce_max3A [1] : vector<256x2048xf32> to vector<256xf32>
    %broadcast_in_dim3A_32 = vector.shape_cast %reduce_max3A_31 : vector<256xf32> to vector<256x1xf32>
    %eq3A = vector.broadcast %broadcast_in_dim3A_32 : vector<256x1xf32> to vector<256x2048xf32>
    %eq3A_33 = arith.cmpf oeq, %sub3A_30, %eq3A : vector<256x2048xf32>
    %jit3A = arith.constant 2048 : i32
    %broadcast_in_dim3A_34 = vector.broadcast %jit3A : i32 to vector<256x2048xi32>
    %select_n3A = arith.select %eq3A_33, %iota3A, %broadcast_in_dim3A_34 : vector<256x2048xi1>, vector<256x2048xi32>
    %reduce_min3A = arith.constant dense<2147483647> : vector<256xi32>
    %reduce_min3A_35 = vector.multi_reduction <minsi>, %select_n3A, %reduce_min3A [1] : vector<256x2048xi32> to vector<256xi32>
    %broadcast_in_dim3A_36 = vector.shape_cast %reduce_min3A_35 : vector<256xi32> to vector<256x1xi32>
    %eq3A_37 = vector.broadcast %broadcast_in_dim3A_36 : vector<256x1xi32> to vector<256x2048xi32>
    %eq3A_38 = arith.cmpi eq, %select_n3A, %eq3A_37 : vector<256x2048xi32>
    %jit3A_39 = arith.constant -1.000000e+30 : f32
    %broadcast_in_dim3A_40 = vector.broadcast %jit3A_39 : f32 to vector<256x2048xf32>
    %select_n3A_41 = arith.select %eq3A_38, %broadcast_in_dim3A_40, %sub3A_30 : vector<256x2048xi1>, vector<256x2048xf32>
    %squeeze3A = vector.shape_cast %broadcast_in_dim3A_36 : vector<256x1xi32> to vector<256xi32>
    %mul3A_42 = arith.constant 2048 : i32
    %mul3A_43 = arith.muli %arg0, %mul3A_42 : i32
    %add3A = vector.broadcast %mul3A_43 : i32 to vector<256xi32>
    %add3A_44 = arith.addi %squeeze3A, %add3A : vector<256xi32>
    %swap3A = arith.constant 0 : index
    %swap3A_45 = arith.constant 0 : index
    %swap3A_46 = arith.constant 0 : index
    %swap3A_47 = vector.load %arg4[%swap3A, %swap3A_45, %swap3A_46] : memref<1x256x16xi32, #tpu.memory_space<vmem>>, vector<1x256x1xi32>
    %swap3A_48 = vector.shape_cast %swap3A_47 : vector<1x256x1xi32> to vector<256xi32>
    %swap3A_49 = vector.shape_cast %add3A_44 : vector<256xi32> to vector<1x256x1xi32>
    tpu.vector_store %arg4[%swap3A, %swap3A_45, %swap3A_46], %swap3A_49 {strides = array<i32>} : memref<1x256x16xi32, #tpu.memory_space<vmem>>, vector<1x256x1xi32>,
    %reduce_max3A_50 = arith.constant dense<0xFF800000> : vector<256xf32>
    %reduce_max3A_51 = vector.multi_reduction <maximumf>, %select_n3A_41, %reduce_max3A_50 [1] : vector<256x2048xf32> to vector<256xf32>
    %broadcast_in_dim3A_52 = vector.shape_cast %reduce_max3A_51 : vector<256xf32> to vector<256x1xf32>
    %eq3A_53 = vector.broadcast %broadcast_in_dim3A_52 : vector<256x1xf32> to vector<256x2048xf32>
    %eq3A_54 = arith.cmpf oeq, %select_n3A_41, %eq3A_53 : vector<256x2048xf32>
    %jit3A_55 = arith.constant 2048 : i32
    %broadcast_in_dim3A_56 = vector.broadcast %jit3A_55 : i32 to vector<256x2048xi32>
    %select_n3A_57 = arith.select %eq3A_54, %iota3A, %broadcast_in_dim3A_56 : vector<256x2048xi1>, vector<256x2048xi32>
    %reduce_min3A_58 = arith.constant dense<2147483647> : vector<256xi32>
    %reduce_min3A_59 = vector.multi_reduction <minsi>, %select_n3A_57, %reduce_min3A_58 [1] : vector<256x2048xi32> to vector<256xi32>
    %broadcast_in_dim3A_60 = vector.shape_cast %reduce_min3A_59 : vector<256xi32> to vector<256x1xi32>
    %eq3A_61 = vector.broadcast %broadcast_in_dim3A_60 : vector<256x1xi32> to vector<256x2048xi32>
    %eq3A_62 = arith.cmpi eq, %select_n3A_57, %eq3A_61 : vector<256x2048xi32>
    %jit3A_63 = arith.constant -1.000000e+30 : f32
    %broadcast_in_dim3A_64 = vector.broadcast %jit3A_63 : f32 to vector<256x2048xf32>
    %select_n3A_65 = arith.select %eq3A_62, %broadcast_in_dim3A_64, %select_n3A_41 : vector<256x2048xi1>, vector<256x2048xf32>
    %squeeze3A_66 = vector.shape_cast %broadcast_in_dim3A_60 : vector<256x1xi32> to vector<256xi32>
    %mul3A_67 = arith.constant 2048 : i32
    %mul3A_68 = arith.muli %arg0, %mul3A_67 : i32
    %add3A_69 = vector.broadcast %mul3A_68 : i32 to vector<256xi32>
    %add3A_70 = arith.addi %squeeze3A_66, %add3A_69 : vector<256xi32>
    %swap3A_71 = arith.constant 0 : index
    %swap3A_72 = arith.constant 0 : index
    %swap3A_73 = arith.constant 1 : index
    %swap3A_74 = vector.load %arg4[%swap3A_71, %swap3A_72, %swap3A_73] : memref<1x256x16xi32, #tpu.memory_space<vmem>>, vector<1x256x1xi32>
    %swap3A_75 = vector.shape_cast %swap3A_74 : vector<1x256x1xi32> to vector<256xi32>
    %swap3A_76 = vector.shape_cast %add3A_70 : vector<256xi32> to vector<1x256x1xi32>
    tpu.vector_store %arg4[%swap3A_71, %swap3A_72, %swap3A_73], %swap3A_76 {strides = array<i32>} : memref<1x256x16xi32, #tpu.memory_space<vmem>>, vector<1x256x1xi32>,
    %reduce_max3A_77 = arith.constant dense<0xFF800000> : vector<256xf32>
    %reduce_max3A_78 = vector.multi_reduction <maximumf>, %select_n3A_65, %reduce_max3A_77 [1] : vector<256x2048xf32> to vector<256xf32>
    %broadcast_in_dim3A_79 = vector.shape_cast %reduce_max3A_78 : vector<256xf32> to vector<256x1xf32>
    %eq3A_80 = vector.broadcast %broadcast_in_dim3A_79 : vector<256x1xf32> to vector<256x2048xf32>
    %eq3A_81 = arith.cmpf oeq, %select_n3A_65, %eq3A_80 : vector<256x2048xf32>
    %jit3A_82 = arith.constant 2048 : i32
    %broadcast_in_dim3A_83 = vector.broadcast %jit3A_82 : i32 to vector<256x2048xi32>
    %select_n3A_84 = arith.select %eq3A_81, %iota3A, %broadcast_in_dim3A_83 : vector<256x2048xi1>, vector<256x2048xi32>
    %reduce_min3A_85 = arith.constant dense<2147483647> : vector<256xi32>
    %reduce_min3A_86 = vector.multi_reduction <minsi>, %select_n3A_84, %reduce_min3A_85 [1] : vector<256x2048xi32> to vector<256xi32>
    %broadcast_in_dim3A_87 = vector.shape_cast %reduce_min3A_86 : vector<256xi32> to vector<256x1xi32>
    %eq3A_88 = vector.broadcast %broadcast_in_dim3A_87 : vector<256x1xi32> to vector<256x2048xi32>
    %eq3A_89 = arith.cmpi eq, %select_n3A_84, %eq3A_88 : vector<256x2048xi32>
    %jit3A_90 = arith.constant -1.000000e+30 : f32
    %broadcast_in_dim3A_91 = vector.broadcast %jit3A_90 : f32 to vector<256x2048xf32>
    %select_n3A_92 = arith.select %eq3A_89, %broadcast_in_dim3A_91, %select_n3A_65 : vector<256x2048xi1>, vector<256x2048xf32>
    %squeeze3A_93 = vector.shape_cast %broadcast_in_dim3A_87 : vector<256x1xi32> to vector<256xi32>
    %mul3A_94 = arith.constant 2048 : i32
    %mul3A_95 = arith.muli %arg0, %mul3A_94 : i32
    %add3A_96 = vector.broadcast %mul3A_95 : i32 to vector<256xi32>
    %add3A_97 = arith.addi %squeeze3A_93, %add3A_96 : vector<256xi32>
    %swap3A_98 = arith.constant 0 : index
    %swap3A_99 = arith.constant 0 : index
    %swap3A_100 = arith.constant 2 : index
    %swap3A_101 = vector.load %arg4[%swap3A_98, %swap3A_99, %swap3A_100] : memref<1x256x16xi32, #tpu.memory_space<vmem>>, vector<1x256x1xi32>
    %swap3A_102 = vector.shape_cast %swap3A_101 : vector<1x256x1xi32> to vector<256xi32>
    %swap3A_103 = vector.shape_cast %add3A_97 : vector<256xi32> to vector<1x256x1xi32>
    tpu.vector_store %arg4[%swap3A_98, %swap3A_99, %swap3A_100], %swap3A_103 {strides = array<i32>} : memref<1x256x16xi32, #tpu.memory_space<vmem>>, vector<1x256x1xi32>,
    %reduce_max3A_104 = arith.constant dense<0xFF800000> : vector<256xf32>
    %reduce_max3A_105 = vector.multi_reduction <maximumf>, %select_n3A_92, %reduce_max3A_104 [1] : vector<256x2048xf32> to vector<256xf32>
    %broadcast_in_dim3A_106 = vector.shape_cast %reduce_max3A_105 : vector<256xf32> to vector<256x1xf32>
    %eq3A_107 = vector.broadcast %broadcast_in_dim3A_106 : vector<256x1xf32> to vector<256x2048xf32>
    %eq3A_108 = arith.cmpf oeq, %select_n3A_92, %eq3A_107 : vector<256x2048xf32>
    %jit3A_109 = arith.constant 2048 : i32
    %broadcast_in_dim3A_110 = vector.broadcast %jit3A_109 : i32 to vector<256x2048xi32>
    %select_n3A_111 = arith.select %eq3A_108, %iota3A, %broadcast_in_dim3A_110 : vector<256x2048xi1>, vector<256x2048xi32>
    %reduce_min3A_112 = arith.constant dense<2147483647> : vector<256xi32>
    %reduce_min3A_113 = vector.multi_reduction <minsi>, %select_n3A_111, %reduce_min3A_112 [1] : vector<256x2048xi32> to vector<256xi32>
    %broadcast_in_dim3A_114 = vector.shape_cast %reduce_min3A_113 : vector<256xi32> to vector<256x1xi32>
    %eq3A_115 = vector.broadcast %broadcast_in_dim3A_114 : vector<256x1xi32> to vector<256x2048xi32>
    %eq3A_116 = arith.cmpi eq, %select_n3A_111, %eq3A_115 : vector<256x2048xi32>
    %jit3A_117 = arith.constant -1.000000e+30 : f32
    %broadcast_in_dim3A_118 = vector.broadcast %jit3A_117 : f32 to vector<256x2048xf32>
    %select_n3A_119 = arith.select %eq3A_116, %broadcast_in_dim3A_118, %select_n3A_92 : vector<256x2048xi1>, vector<256x2048xf32>
    %squeeze3A_120 = vector.shape_cast %broadcast_in_dim3A_114 : vector<256x1xi32> to vector<256xi32>
    %mul3A_121 = arith.constant 2048 : i32
    %mul3A_122 = arith.muli %arg0, %mul3A_121 : i32
    %add3A_123 = vector.broadcast %mul3A_122 : i32 to vector<256xi32>
    %add3A_124 = arith.addi %squeeze3A_120, %add3A_123 : vector<256xi32>
    %swap3A_125 = arith.constant 0 : index
    %swap3A_126 = arith.constant 0 : index
    %swap3A_127 = arith.constant 3 : index
    %swap3A_128 = vector.load %arg4[%swap3A_125, %swap3A_126, %swap3A_127] : memref<1x256x16xi32, #tpu.memory_space<vmem>>, vector<1x256x1xi32>
    %swap3A_129 = vector.shape_cast %swap3A_128 : vector<1x256x1xi32> to vector<256xi32>
    %swap3A_130 = vector.shape_cast %add3A_124 : vector<256xi32> to vector<1x256x1xi32>
    tpu.vector_store %arg4[%swap3A_125, %swap3A_126, %swap3A_127], %swap3A_130 {strides = array<i32>} : memref<1x256x16xi32, #tpu.memory_space<vmem>>, vector<1x256x1xi32>,
    %reduce_max3A_131 = arith.constant dense<0xFF800000> : vector<256xf32>
    %reduce_max3A_132 = vector.multi_reduction <maximumf>, %select_n3A_119, %reduce_max3A_131 [1] : vector<256x2048xf32> to vector<256xf32>
    %broadcast_in_dim3A_133 = vector.shape_cast %reduce_max3A_132 : vector<256xf32> to vector<256x1xf32>
    %eq3A_134 = vector.broadcast %broadcast_in_dim3A_133 : vector<256x1xf32> to vector<256x2048xf32>
    %eq3A_135 = arith.cmpf oeq, %select_n3A_119, %eq3A_134 : vector<256x2048xf32>
    %jit3A_136 = arith.constant 2048 : i32
    %broadcast_in_dim3A_137 = vector.broadcast %jit3A_136 : i32 to vector<256x2048xi32>
    %select_n3A_138 = arith.select %eq3A_135, %iota3A, %broadcast_in_dim3A_137 : vector<256x2048xi1>, vector<256x2048xi32>
    %reduce_min3A_139 = arith.constant dense<2147483647> : vector<256xi32>
    %reduce_min3A_140 = vector.multi_reduction <minsi>, %select_n3A_138, %reduce_min3A_139 [1] : vector<256x2048xi32> to vector<256xi32>
    %broadcast_in_dim3A_141 = vector.shape_cast %reduce_min3A_140 : vector<256xi32> to vector<256x1xi32>
    %eq3A_142 = vector.broadcast %broadcast_in_dim3A_141 : vector<256x1xi32> to vector<256x2048xi32>
    %eq3A_143 = arith.cmpi eq, %select_n3A_138, %eq3A_142 : vector<256x2048xi32>
    %jit3A_144 = arith.constant -1.000000e+30 : f32
    %broadcast_in_dim3A_145 = vector.broadcast %jit3A_144 : f32 to vector<256x2048xf32>
    %select_n3A_146 = arith.select %eq3A_143, %broadcast_in_dim3A_145, %select_n3A_119 : vector<256x2048xi1>, vector<256x2048xf32>
    %squeeze3A_147 = vector.shape_cast %broadcast_in_dim3A_141 : vector<256x1xi32> to vector<256xi32>
    %mul3A_148 = arith.constant 2048 : i32
    %mul3A_149 = arith.muli %arg0, %mul3A_148 : i32
    %add3A_150 = vector.broadcast %mul3A_149 : i32 to vector<256xi32>
    %add3A_151 = arith.addi %squeeze3A_147, %add3A_150 : vector<256xi32>
    %swap3A_152 = arith.constant 0 : index
    %swap3A_153 = arith.constant 0 : index
    %swap3A_154 = arith.constant 4 : index
    %swap3A_155 = vector.load %arg4[%swap3A_152, %swap3A_153, %swap3A_154] : memref<1x256x16xi32, #tpu.memory_space<vmem>>, vector<1x256x1xi32>
    %swap3A_156 = vector.shape_cast %swap3A_155 : vector<1x256x1xi32> to vector<256xi32>
    %swap3A_157 = vector.shape_cast %add3A_151 : vector<256xi32> to vector<1x256x1xi32>
    tpu.vector_store %arg4[%swap3A_152, %swap3A_153, %swap3A_154], %swap3A_157 {strides = array<i32>} : memref<1x256x16xi32, #tpu.memory_space<vmem>>, vector<1x256x1xi32>,
    %reduce_max3A_158 = arith.constant dense<0xFF800000> : vector<256xf32>
    %reduce_max3A_159 = vector.multi_reduction <maximumf>, %select_n3A_146, %reduce_max3A_158 [1] : vector<256x2048xf32> to vector<256xf32>
    %broadcast_in_dim3A_160 = vector.shape_cast %reduce_max3A_159 : vector<256xf32> to vector<256x1xf32>
    %eq3A_161 = vector.broadcast %broadcast_in_dim3A_160 : vector<256x1xf32> to vector<256x2048xf32>
    %eq3A_162 = arith.cmpf oeq, %select_n3A_146, %eq3A_161 : vector<256x2048xf32>
    %jit3A_163 = arith.constant 2048 : i32
    %broadcast_in_dim3A_164 = vector.broadcast %jit3A_163 : i32 to vector<256x2048xi32>
    %select_n3A_165 = arith.select %eq3A_162, %iota3A, %broadcast_in_dim3A_164 : vector<256x2048xi1>, vector<256x2048xi32>
    %reduce_min3A_166 = arith.constant dense<2147483647> : vector<256xi32>
    %reduce_min3A_167 = vector.multi_reduction <minsi>, %select_n3A_165, %reduce_min3A_166 [1] : vector<256x2048xi32> to vector<256xi32>
    %broadcast_in_dim3A_168 = vector.shape_cast %reduce_min3A_167 : vector<256xi32> to vector<256x1xi32>
    %eq3A_169 = vector.broadcast %broadcast_in_dim3A_168 : vector<256x1xi32> to vector<256x2048xi32>
    %eq3A_170 = arith.cmpi eq, %select_n3A_165, %eq3A_169 : vector<256x2048xi32>
    %jit3A_171 = arith.constant -1.000000e+30 : f32
    %broadcast_in_dim3A_172 = vector.broadcast %jit3A_171 : f32 to vector<256x2048xf32>
    %select_n3A_173 = arith.select %eq3A_170, %broadcast_in_dim3A_172, %select_n3A_146 : vector<256x2048xi1>, vector<256x2048xf32>
    %squeeze3A_174 = vector.shape_cast %broadcast_in_dim3A_168 : vector<256x1xi32> to vector<256xi32>
    %mul3A_175 = arith.constant 2048 : i32
    %mul3A_176 = arith.muli %arg0, %mul3A_175 : i32
    %add3A_177 = vector.broadcast %mul3A_176 : i32 to vector<256xi32>
    %add3A_178 = arith.addi %squeeze3A_174, %add3A_177 : vector<256xi32>
    %swap3A_179 = arith.constant 0 : index
    %swap3A_180 = arith.constant 0 : index
    %swap3A_181 = arith.constant 5 : index
    %swap3A_182 = vector.load %arg4[%swap3A_179, %swap3A_180, %swap3A_181] : memref<1x256x16xi32, #tpu.memory_space<vmem>>, vector<1x256x1xi32>
    %swap3A_183 = vector.shape_cast %swap3A_182 : vector<1x256x1xi32> to vector<256xi32>
    %swap3A_184 = vector.shape_cast %add3A_178 : vector<256xi32> to vector<1x256x1xi32>
    tpu.vector_store %arg4[%swap3A_179, %swap3A_180, %swap3A_181], %swap3A_184 {strides = array<i32>} : memref<1x256x16xi32, #tpu.memory_space<vmem>>, vector<1x256x1xi32>,
    %reduce_max3A_185 = arith.constant dense<0xFF800000> : vector<256xf32>
    %reduce_max3A_186 = vector.multi_reduction <maximumf>, %select_n3A_173, %reduce_max3A_185 [1] : vector<256x2048xf32> to vector<256xf32>
    %broadcast_in_dim3A_187 = vector.shape_cast %reduce_max3A_186 : vector<256xf32> to vector<256x1xf32>
    %eq3A_188 = vector.broadcast %broadcast_in_dim3A_187 : vector<256x1xf32> to vector<256x2048xf32>
    %eq3A_189 = arith.cmpf oeq, %select_n3A_173, %eq3A_188 : vector<256x2048xf32>
    %jit3A_190 = arith.constant 2048 : i32
    %broadcast_in_dim3A_191 = vector.broadcast %jit3A_190 : i32 to vector<256x2048xi32>
    %select_n3A_192 = arith.select %eq3A_189, %iota3A, %broadcast_in_dim3A_191 : vector<256x2048xi1>, vector<256x2048xi32>
    %reduce_min3A_193 = arith.constant dense<2147483647> : vector<256xi32>
    %reduce_min3A_194 = vector.multi_reduction <minsi>, %select_n3A_192, %reduce_min3A_193 [1] : vector<256x2048xi32> to vector<256xi32>
    %broadcast_in_dim3A_195 = vector.shape_cast %reduce_min3A_194 : vector<256xi32> to vector<256x1xi32>
    %eq3A_196 = vector.broadcast %broadcast_in_dim3A_195 : vector<256x1xi32> to vector<256x2048xi32>
    %eq3A_197 = arith.cmpi eq, %select_n3A_192, %eq3A_196 : vector<256x2048xi32>
    %jit3A_198 = arith.constant -1.000000e+30 : f32
    %broadcast_in_dim3A_199 = vector.broadcast %jit3A_198 : f32 to vector<256x2048xf32>
    %select_n3A_200 = arith.select %eq3A_197, %broadcast_in_dim3A_199, %select_n3A_173 : vector<256x2048xi1>, vector<256x2048xf32>
    %squeeze3A_201 = vector.shape_cast %broadcast_in_dim3A_195 : vector<256x1xi32> to vector<256xi32>
    %mul3A_202 = arith.constant 2048 : i32
    %mul3A_203 = arith.muli %arg0, %mul3A_202 : i32
    %add3A_204 = vector.broadcast %mul3A_203 : i32 to vector<256xi32>
    %add3A_205 = arith.addi %squeeze3A_201, %add3A_204 : vector<256xi32>
    %swap3A_206 = arith.constant 0 : index
    %swap3A_207 = arith.constant 0 : index
    %swap3A_208 = arith.constant 6 : index
    %swap3A_209 = vector.load %arg4[%swap3A_206, %swap3A_207, %swap3A_208] : memref<1x256x16xi32, #tpu.memory_space<vmem>>, vector<1x256x1xi32>
    %swap3A_210 = vector.shape_cast %swap3A_209 : vector<1x256x1xi32> to vector<256xi32>
    %swap3A_211 = vector.shape_cast %add3A_205 : vector<256xi32> to vector<1x256x1xi32>
    tpu.vector_store %arg4[%swap3A_206, %swap3A_207, %swap3A_208], %swap3A_211 {strides = array<i32>} : memref<1x256x16xi32, #tpu.memory_space<vmem>>, vector<1x256x1xi32>,
    %reduce_max3A_212 = arith.constant dense<0xFF800000> : vector<256xf32>
    %reduce_max3A_213 = vector.multi_reduction <maximumf>, %select_n3A_200, %reduce_max3A_212 [1] : vector<256x2048xf32> to vector<256xf32>
    %broadcast_in_dim3A_214 = vector.shape_cast %reduce_max3A_213 : vector<256xf32> to vector<256x1xf32>
    %eq3A_215 = vector.broadcast %broadcast_in_dim3A_214 : vector<256x1xf32> to vector<256x2048xf32>
    %eq3A_216 = arith.cmpf oeq, %select_n3A_200, %eq3A_215 : vector<256x2048xf32>
    %jit3A_217 = arith.constant 2048 : i32
    %broadcast_in_dim3A_218 = vector.broadcast %jit3A_217 : i32 to vector<256x2048xi32>
    %select_n3A_219 = arith.select %eq3A_216, %iota3A, %broadcast_in_dim3A_218 : vector<256x2048xi1>, vector<256x2048xi32>
    %reduce_min3A_220 = arith.constant dense<2147483647> : vector<256xi32>
    %reduce_min3A_221 = vector.multi_reduction <minsi>, %select_n3A_219, %reduce_min3A_220 [1] : vector<256x2048xi32> to vector<256xi32>
    %broadcast_in_dim3A_222 = vector.shape_cast %reduce_min3A_221 : vector<256xi32> to vector<256x1xi32>
    %eq3A_223 = vector.broadcast %broadcast_in_dim3A_222 : vector<256x1xi32> to vector<256x2048xi32>
    %eq3A_224 = arith.cmpi eq, %select_n3A_219, %eq3A_223 : vector<256x2048xi32>
    %jit3A_225 = arith.constant -1.000000e+30 : f32
    %broadcast_in_dim3A_226 = vector.broadcast %jit3A_225 : f32 to vector<256x2048xf32>
    %select_n3A_227 = arith.select %eq3A_224, %broadcast_in_dim3A_226, %select_n3A_200 : vector<256x2048xi1>, vector<256x2048xf32>
    %squeeze3A_228 = vector.shape_cast %broadcast_in_dim3A_222 : vector<256x1xi32> to vector<256xi32>
    %mul3A_229 = arith.constant 2048 : i32
    %mul3A_230 = arith.muli %arg0, %mul3A_229 : i32
    %add3A_231 = vector.broadcast %mul3A_230 : i32 to vector<256xi32>
    %add3A_232 = arith.addi %squeeze3A_228, %add3A_231 : vector<256xi32>
    %swap3A_233 = arith.constant 0 : index
    %swap3A_234 = arith.constant 0 : index
    %swap3A_235 = arith.constant 7 : index
    %swap3A_236 = vector.load %arg4[%swap3A_233, %swap3A_234, %swap3A_235] : memref<1x256x16xi32, #tpu.memory_space<vmem>>, vector<1x256x1xi32>
    %swap3A_237 = vector.shape_cast %swap3A_236 : vector<1x256x1xi32> to vector<256xi32>
    %swap3A_238 = vector.shape_cast %add3A_232 : vector<256xi32> to vector<1x256x1xi32>
    tpu.vector_store %arg4[%swap3A_233, %swap3A_234, %swap3A_235], %swap3A_238 {strides = array<i32>} : memref<1x256x16xi32, #tpu.memory_space<vmem>>, vector<1x256x1xi32>,
    %reduce_max3A_239 = arith.constant dense<0xFF800000> : vector<256xf32>
    %reduce_max3A_240 = vector.multi_reduction <maximumf>, %select_n3A_227, %reduce_max3A_239 [1] : vector<256x2048xf32> to vector<256xf32>
    %broadcast_in_dim3A_241 = vector.shape_cast %reduce_max3A_240 : vector<256xf32> to vector<256x1xf32>
    %eq3A_242 = vector.broadcast %broadcast_in_dim3A_241 : vector<256x1xf32> to vector<256x2048xf32>
    %eq3A_243 = arith.cmpf oeq, %select_n3A_227, %eq3A_242 : vector<256x2048xf32>
    %jit3A_244 = arith.constant 2048 : i32
    %broadcast_in_dim3A_245 = vector.broadcast %jit3A_244 : i32 to vector<256x2048xi32>
    %select_n3A_246 = arith.select %eq3A_243, %iota3A, %broadcast_in_dim3A_245 : vector<256x2048xi1>, vector<256x2048xi32>
    %reduce_min3A_247 = arith.constant dense<2147483647> : vector<256xi32>
    %reduce_min3A_248 = vector.multi_reduction <minsi>, %select_n3A_246, %reduce_min3A_247 [1] : vector<256x2048xi32> to vector<256xi32>
    %broadcast_in_dim3A_249 = vector.shape_cast %reduce_min3A_248 : vector<256xi32> to vector<256x1xi32>
    %eq3A_250 = vector.broadcast %broadcast_in_dim3A_249 : vector<256x1xi32> to vector<256x2048xi32>
    %eq3A_251 = arith.cmpi eq, %select_n3A_246, %eq3A_250 : vector<256x2048xi32>
    %jit3A_252 = arith.constant -1.000000e+30 : f32
    %broadcast_in_dim3A_253 = vector.broadcast %jit3A_252 : f32 to vector<256x2048xf32>
    %select_n3A_254 = arith.select %eq3A_251, %broadcast_in_dim3A_253, %select_n3A_227 : vector<256x2048xi1>, vector<256x2048xf32>
    %squeeze3A_255 = vector.shape_cast %broadcast_in_dim3A_249 : vector<256x1xi32> to vector<256xi32>
    %mul3A_256 = arith.constant 2048 : i32
    %mul3A_257 = arith.muli %arg0, %mul3A_256 : i32
    %add3A_258 = vector.broadcast %mul3A_257 : i32 to vector<256xi32>
    %add3A_259 = arith.addi %squeeze3A_255, %add3A_258 : vector<256xi32>
    %swap3A_260 = arith.constant 0 : index
    %swap3A_261 = arith.constant 0 : index
    %swap3A_262 = arith.constant 8 : index
    %swap3A_263 = vector.load %arg4[%swap3A_260, %swap3A_261, %swap3A_262] : memref<1x256x16xi32, #tpu.memory_space<vmem>>, vector<1x256x1xi32>
    %swap3A_264 = vector.shape_cast %swap3A_263 : vector<1x256x1xi32> to vector<256xi32>
    %swap3A_265 = vector.shape_cast %add3A_259 : vector<256xi32> to vector<1x256x1xi32>
    tpu.vector_store %arg4[%swap3A_260, %swap3A_261, %swap3A_262], %swap3A_265 {strides = array<i32>} : memref<1x256x16xi32, #tpu.memory_space<vmem>>, vector<1x256x1xi32>,
    %reduce_max3A_266 = arith.constant dense<0xFF800000> : vector<256xf32>
    %reduce_max3A_267 = vector.multi_reduction <maximumf>, %select_n3A_254, %reduce_max3A_266 [1] : vector<256x2048xf32> to vector<256xf32>
    %broadcast_in_dim3A_268 = vector.shape_cast %reduce_max3A_267 : vector<256xf32> to vector<256x1xf32>
    %eq3A_269 = vector.broadcast %broadcast_in_dim3A_268 : vector<256x1xf32> to vector<256x2048xf32>
    %eq3A_270 = arith.cmpf oeq, %select_n3A_254, %eq3A_269 : vector<256x2048xf32>
    %jit3A_271 = arith.constant 2048 : i32
    %broadcast_in_dim3A_272 = vector.broadcast %jit3A_271 : i32 to vector<256x2048xi32>
    %select_n3A_273 = arith.select %eq3A_270, %iota3A, %broadcast_in_dim3A_272 : vector<256x2048xi1>, vector<256x2048xi32>
    %reduce_min3A_274 = arith.constant dense<2147483647> : vector<256xi32>
    %reduce_min3A_275 = vector.multi_reduction <minsi>, %select_n3A_273, %reduce_min3A_274 [1] : vector<256x2048xi32> to vector<256xi32>
    %broadcast_in_dim3A_276 = vector.shape_cast %reduce_min3A_275 : vector<256xi32> to vector<256x1xi32>
    %eq3A_277 = vector.broadcast %broadcast_in_dim3A_276 : vector<256x1xi32> to vector<256x2048xi32>
    %eq3A_278 = arith.cmpi eq, %select_n3A_273, %eq3A_277 : vector<256x2048xi32>
    %jit3A_279 = arith.constant -1.000000e+30 : f32
    %broadcast_in_dim3A_280 = vector.broadcast %jit3A_279 : f32 to vector<256x2048xf32>
    %select_n3A_281 = arith.select %eq3A_278, %broadcast_in_dim3A_280, %select_n3A_254 : vector<256x2048xi1>, vector<256x2048xf32>
    %squeeze3A_282 = vector.shape_cast %broadcast_in_dim3A_276 : vector<256x1xi32> to vector<256xi32>
    %mul3A_283 = arith.constant 2048 : i32
    %mul3A_284 = arith.muli %arg0, %mul3A_283 : i32
    %add3A_285 = vector.broadcast %mul3A_284 : i32 to vector<256xi32>
    %add3A_286 = arith.addi %squeeze3A_282, %add3A_285 : vector<256xi32>
    %swap3A_287 = arith.constant 0 : index
    %swap3A_288 = arith.constant 0 : index
    %swap3A_289 = arith.constant 9 : index
    %swap3A_290 = vector.load %arg4[%swap3A_287, %swap3A_288, %swap3A_289] : memref<1x256x16xi32, #tpu.memory_space<vmem>>, vector<1x256x1xi32>
    %swap3A_291 = vector.shape_cast %swap3A_290 : vector<1x256x1xi32> to vector<256xi32>
    %swap3A_292 = vector.shape_cast %add3A_286 : vector<256xi32> to vector<1x256x1xi32>
    tpu.vector_store %arg4[%swap3A_287, %swap3A_288, %swap3A_289], %swap3A_292 {strides = array<i32>} : memref<1x256x16xi32, #tpu.memory_space<vmem>>, vector<1x256x1xi32>,
    %reduce_max3A_293 = arith.constant dense<0xFF800000> : vector<256xf32>
    %reduce_max3A_294 = vector.multi_reduction <maximumf>, %select_n3A_281, %reduce_max3A_293 [1] : vector<256x2048xf32> to vector<256xf32>
    %broadcast_in_dim3A_295 = vector.shape_cast %reduce_max3A_294 : vector<256xf32> to vector<256x1xf32>
    %eq3A_296 = vector.broadcast %broadcast_in_dim3A_295 : vector<256x1xf32> to vector<256x2048xf32>
    %eq3A_297 = arith.cmpf oeq, %select_n3A_281, %eq3A_296 : vector<256x2048xf32>
    %jit3A_298 = arith.constant 2048 : i32
    %broadcast_in_dim3A_299 = vector.broadcast %jit3A_298 : i32 to vector<256x2048xi32>
    %select_n3A_300 = arith.select %eq3A_297, %iota3A, %broadcast_in_dim3A_299 : vector<256x2048xi1>, vector<256x2048xi32>
    %reduce_min3A_301 = arith.constant dense<2147483647> : vector<256xi32>
    %reduce_min3A_302 = vector.multi_reduction <minsi>, %select_n3A_300, %reduce_min3A_301 [1] : vector<256x2048xi32> to vector<256xi32>
    %broadcast_in_dim3A_303 = vector.shape_cast %reduce_min3A_302 : vector<256xi32> to vector<256x1xi32>
    %eq3A_304 = vector.broadcast %broadcast_in_dim3A_303 : vector<256x1xi32> to vector<256x2048xi32>
    %eq3A_305 = arith.cmpi eq, %select_n3A_300, %eq3A_304 : vector<256x2048xi32>
    %jit3A_306 = arith.constant -1.000000e+30 : f32
    %broadcast_in_dim3A_307 = vector.broadcast %jit3A_306 : f32 to vector<256x2048xf32>
    %select_n3A_308 = arith.select %eq3A_305, %broadcast_in_dim3A_307, %select_n3A_281 : vector<256x2048xi1>, vector<256x2048xf32>
    %squeeze3A_309 = vector.shape_cast %broadcast_in_dim3A_303 : vector<256x1xi32> to vector<256xi32>
    %mul3A_310 = arith.constant 2048 : i32
    %mul3A_311 = arith.muli %arg0, %mul3A_310 : i32
    %add3A_312 = vector.broadcast %mul3A_311 : i32 to vector<256xi32>
    %add3A_313 = arith.addi %squeeze3A_309, %add3A_312 : vector<256xi32>
    %swap3A_314 = arith.constant 0 : index
    %swap3A_315 = arith.constant 0 : index
    %swap3A_316 = arith.constant 10 : index
    %swap3A_317 = vector.load %arg4[%swap3A_314, %swap3A_315, %swap3A_316] : memref<1x256x16xi32, #tpu.memory_space<vmem>>, vector<1x256x1xi32>
    %swap3A_318 = vector.shape_cast %swap3A_317 : vector<1x256x1xi32> to vector<256xi32>
    %swap3A_319 = vector.shape_cast %add3A_313 : vector<256xi32> to vector<1x256x1xi32>
    tpu.vector_store %arg4[%swap3A_314, %swap3A_315, %swap3A_316], %swap3A_319 {strides = array<i32>} : memref<1x256x16xi32, #tpu.memory_space<vmem>>, vector<1x256x1xi32>,
    %reduce_max3A_320 = arith.constant dense<0xFF800000> : vector<256xf32>
    %reduce_max3A_321 = vector.multi_reduction <maximumf>, %select_n3A_308, %reduce_max3A_320 [1] : vector<256x2048xf32> to vector<256xf32>
    %broadcast_in_dim3A_322 = vector.shape_cast %reduce_max3A_321 : vector<256xf32> to vector<256x1xf32>
    %eq3A_323 = vector.broadcast %broadcast_in_dim3A_322 : vector<256x1xf32> to vector<256x2048xf32>
    %eq3A_324 = arith.cmpf oeq, %select_n3A_308, %eq3A_323 : vector<256x2048xf32>
    %jit3A_325 = arith.constant 2048 : i32
    %broadcast_in_dim3A_326 = vector.broadcast %jit3A_325 : i32 to vector<256x2048xi32>
    %select_n3A_327 = arith.select %eq3A_324, %iota3A, %broadcast_in_dim3A_326 : vector<256x2048xi1>, vector<256x2048xi32>
    %reduce_min3A_328 = arith.constant dense<2147483647> : vector<256xi32>
    %reduce_min3A_329 = vector.multi_reduction <minsi>, %select_n3A_327, %reduce_min3A_328 [1] : vector<256x2048xi32> to vector<256xi32>
    %broadcast_in_dim3A_330 = vector.shape_cast %reduce_min3A_329 : vector<256xi32> to vector<256x1xi32>
    %eq3A_331 = vector.broadcast %broadcast_in_dim3A_330 : vector<256x1xi32> to vector<256x2048xi32>
    %eq3A_332 = arith.cmpi eq, %select_n3A_327, %eq3A_331 : vector<256x2048xi32>
    %jit3A_333 = arith.constant -1.000000e+30 : f32
    %broadcast_in_dim3A_334 = vector.broadcast %jit3A_333 : f32 to vector<256x2048xf32>
    %select_n3A_335 = arith.select %eq3A_332, %broadcast_in_dim3A_334, %select_n3A_308 : vector<256x2048xi1>, vector<256x2048xf32>
    %squeeze3A_336 = vector.shape_cast %broadcast_in_dim3A_330 : vector<256x1xi32> to vector<256xi32>
    %mul3A_337 = arith.constant 2048 : i32
    %mul3A_338 = arith.muli %arg0, %mul3A_337 : i32
    %add3A_339 = vector.broadcast %mul3A_338 : i32 to vector<256xi32>
    %add3A_340 = arith.addi %squeeze3A_336, %add3A_339 : vector<256xi32>
    %swap3A_341 = arith.constant 0 : index
    %swap3A_342 = arith.constant 0 : index
    %swap3A_343 = arith.constant 11 : index
    %swap3A_344 = vector.load %arg4[%swap3A_341, %swap3A_342, %swap3A_343] : memref<1x256x16xi32, #tpu.memory_space<vmem>>, vector<1x256x1xi32>
    %swap3A_345 = vector.shape_cast %swap3A_344 : vector<1x256x1xi32> to vector<256xi32>
    %swap3A_346 = vector.shape_cast %add3A_340 : vector<256xi32> to vector<1x256x1xi32>
    tpu.vector_store %arg4[%swap3A_341, %swap3A_342, %swap3A_343], %swap3A_346 {strides = array<i32>} : memref<1x256x16xi32, #tpu.memory_space<vmem>>, vector<1x256x1xi32>,
    %reduce_max3A_347 = arith.constant dense<0xFF800000> : vector<256xf32>
    %reduce_max3A_348 = vector.multi_reduction <maximumf>, %select_n3A_335, %reduce_max3A_347 [1] : vector<256x2048xf32> to vector<256xf32>
    %broadcast_in_dim3A_349 = vector.shape_cast %reduce_max3A_348 : vector<256xf32> to vector<256x1xf32>
    %eq3A_350 = vector.broadcast %broadcast_in_dim3A_349 : vector<256x1xf32> to vector<256x2048xf32>
    %eq3A_351 = arith.cmpf oeq, %select_n3A_335, %eq3A_350 : vector<256x2048xf32>
    %jit3A_352 = arith.constant 2048 : i32
    %broadcast_in_dim3A_353 = vector.broadcast %jit3A_352 : i32 to vector<256x2048xi32>
    %select_n3A_354 = arith.select %eq3A_351, %iota3A, %broadcast_in_dim3A_353 : vector<256x2048xi1>, vector<256x2048xi32>
    %reduce_min3A_355 = arith.constant dense<2147483647> : vector<256xi32>
    %reduce_min3A_356 = vector.multi_reduction <minsi>, %select_n3A_354, %reduce_min3A_355 [1] : vector<256x2048xi32> to vector<256xi32>
    %broadcast_in_dim3A_357 = vector.shape_cast %reduce_min3A_356 : vector<256xi32> to vector<256x1xi32>
    %eq3A_358 = vector.broadcast %broadcast_in_dim3A_357 : vector<256x1xi32> to vector<256x2048xi32>
    %eq3A_359 = arith.cmpi eq, %select_n3A_354, %eq3A_358 : vector<256x2048xi32>
    %jit3A_360 = arith.constant -1.000000e+30 : f32
    %broadcast_in_dim3A_361 = vector.broadcast %jit3A_360 : f32 to vector<256x2048xf32>
    %select_n3A_362 = arith.select %eq3A_359, %broadcast_in_dim3A_361, %select_n3A_335 : vector<256x2048xi1>, vector<256x2048xf32>
    %squeeze3A_363 = vector.shape_cast %broadcast_in_dim3A_357 : vector<256x1xi32> to vector<256xi32>
    %mul3A_364 = arith.constant 2048 : i32
    %mul3A_365 = arith.muli %arg0, %mul3A_364 : i32
    %add3A_366 = vector.broadcast %mul3A_365 : i32 to vector<256xi32>
    %add3A_367 = arith.addi %squeeze3A_363, %add3A_366 : vector<256xi32>
    %swap3A_368 = arith.constant 0 : index
    %swap3A_369 = arith.constant 0 : index
    %swap3A_370 = arith.constant 12 : index
    %swap3A_371 = vector.load %arg4[%swap3A_368, %swap3A_369, %swap3A_370] : memref<1x256x16xi32, #tpu.memory_space<vmem>>, vector<1x256x1xi32>
    %swap3A_372 = vector.shape_cast %swap3A_371 : vector<1x256x1xi32> to vector<256xi32>
    %swap3A_373 = vector.shape_cast %add3A_367 : vector<256xi32> to vector<1x256x1xi32>
    tpu.vector_store %arg4[%swap3A_368, %swap3A_369, %swap3A_370], %swap3A_373 {strides = array<i32>} : memref<1x256x16xi32, #tpu.memory_space<vmem>>, vector<1x256x1xi32>,
    %reduce_max3A_374 = arith.constant dense<0xFF800000> : vector<256xf32>
    %reduce_max3A_375 = vector.multi_reduction <maximumf>, %select_n3A_362, %reduce_max3A_374 [1] : vector<256x2048xf32> to vector<256xf32>
    %broadcast_in_dim3A_376 = vector.shape_cast %reduce_max3A_375 : vector<256xf32> to vector<256x1xf32>
    %eq3A_377 = vector.broadcast %broadcast_in_dim3A_376 : vector<256x1xf32> to vector<256x2048xf32>
    %eq3A_378 = arith.cmpf oeq, %select_n3A_362, %eq3A_377 : vector<256x2048xf32>
    %jit3A_379 = arith.constant 2048 : i32
    %broadcast_in_dim3A_380 = vector.broadcast %jit3A_379 : i32 to vector<256x2048xi32>
    %select_n3A_381 = arith.select %eq3A_378, %iota3A, %broadcast_in_dim3A_380 : vector<256x2048xi1>, vector<256x2048xi32>
    %reduce_min3A_382 = arith.constant dense<2147483647> : vector<256xi32>
    %reduce_min3A_383 = vector.multi_reduction <minsi>, %select_n3A_381, %reduce_min3A_382 [1] : vector<256x2048xi32> to vector<256xi32>
    %broadcast_in_dim3A_384 = vector.shape_cast %reduce_min3A_383 : vector<256xi32> to vector<256x1xi32>
    %eq3A_385 = vector.broadcast %broadcast_in_dim3A_384 : vector<256x1xi32> to vector<256x2048xi32>
    %eq3A_386 = arith.cmpi eq, %select_n3A_381, %eq3A_385 : vector<256x2048xi32>
    %jit3A_387 = arith.constant -1.000000e+30 : f32
    %broadcast_in_dim3A_388 = vector.broadcast %jit3A_387 : f32 to vector<256x2048xf32>
    %select_n3A_389 = arith.select %eq3A_386, %broadcast_in_dim3A_388, %select_n3A_362 : vector<256x2048xi1>, vector<256x2048xf32>
    %squeeze3A_390 = vector.shape_cast %broadcast_in_dim3A_384 : vector<256x1xi32> to vector<256xi32>
    %mul3A_391 = arith.constant 2048 : i32
    %mul3A_392 = arith.muli %arg0, %mul3A_391 : i32
    %add3A_393 = vector.broadcast %mul3A_392 : i32 to vector<256xi32>
    %add3A_394 = arith.addi %squeeze3A_390, %add3A_393 : vector<256xi32>
    %swap3A_395 = arith.constant 0 : index
    %swap3A_396 = arith.constant 0 : index
    %swap3A_397 = arith.constant 13 : index
    %swap3A_398 = vector.load %arg4[%swap3A_395, %swap3A_396, %swap3A_397] : memref<1x256x16xi32, #tpu.memory_space<vmem>>, vector<1x256x1xi32>
    %swap3A_399 = vector.shape_cast %swap3A_398 : vector<1x256x1xi32> to vector<256xi32>
    %swap3A_400 = vector.shape_cast %add3A_394 : vector<256xi32> to vector<1x256x1xi32>
    tpu.vector_store %arg4[%swap3A_395, %swap3A_396, %swap3A_397], %swap3A_400 {strides = array<i32>} : memref<1x256x16xi32, #tpu.memory_space<vmem>>, vector<1x256x1xi32>,
    %reduce_max3A_401 = arith.constant dense<0xFF800000> : vector<256xf32>
    %reduce_max3A_402 = vector.multi_reduction <maximumf>, %select_n3A_389, %reduce_max3A_401 [1] : vector<256x2048xf32> to vector<256xf32>
    %broadcast_in_dim3A_403 = vector.shape_cast %reduce_max3A_402 : vector<256xf32> to vector<256x1xf32>
    %eq3A_404 = vector.broadcast %broadcast_in_dim3A_403 : vector<256x1xf32> to vector<256x2048xf32>
    %eq3A_405 = arith.cmpf oeq, %select_n3A_389, %eq3A_404 : vector<256x2048xf32>
    %jit3A_406 = arith.constant 2048 : i32
    %broadcast_in_dim3A_407 = vector.broadcast %jit3A_406 : i32 to vector<256x2048xi32>
    %select_n3A_408 = arith.select %eq3A_405, %iota3A, %broadcast_in_dim3A_407 : vector<256x2048xi1>, vector<256x2048xi32>
    %reduce_min3A_409 = arith.constant dense<2147483647> : vector<256xi32>
    %reduce_min3A_410 = vector.multi_reduction <minsi>, %select_n3A_408, %reduce_min3A_409 [1] : vector<256x2048xi32> to vector<256xi32>
    %broadcast_in_dim3A_411 = vector.shape_cast %reduce_min3A_410 : vector<256xi32> to vector<256x1xi32>
    %eq3A_412 = vector.broadcast %broadcast_in_dim3A_411 : vector<256x1xi32> to vector<256x2048xi32>
    %eq3A_413 = arith.cmpi eq, %select_n3A_408, %eq3A_412 : vector<256x2048xi32>
    %jit3A_414 = arith.constant -1.000000e+30 : f32
    %broadcast_in_dim3A_415 = vector.broadcast %jit3A_414 : f32 to vector<256x2048xf32>
    %select_n3A_416 = arith.select %eq3A_413, %broadcast_in_dim3A_415, %select_n3A_389 : vector<256x2048xi1>, vector<256x2048xf32>
    %squeeze3A_417 = vector.shape_cast %broadcast_in_dim3A_411 : vector<256x1xi32> to vector<256xi32>
    %mul3A_418 = arith.constant 2048 : i32
    %mul3A_419 = arith.muli %arg0, %mul3A_418 : i32
    %add3A_420 = vector.broadcast %mul3A_419 : i32 to vector<256xi32>
    %add3A_421 = arith.addi %squeeze3A_417, %add3A_420 : vector<256xi32>
    %swap3A_422 = arith.constant 0 : index
    %swap3A_423 = arith.constant 0 : index
    %swap3A_424 = arith.constant 14 : index
    %swap3A_425 = vector.load %arg4[%swap3A_422, %swap3A_423, %swap3A_424] : memref<1x256x16xi32, #tpu.memory_space<vmem>>, vector<1x256x1xi32>
    %swap3A_426 = vector.shape_cast %swap3A_425 : vector<1x256x1xi32> to vector<256xi32>
    %swap3A_427 = vector.shape_cast %add3A_421 : vector<256xi32> to vector<1x256x1xi32>
    tpu.vector_store %arg4[%swap3A_422, %swap3A_423, %swap3A_424], %swap3A_427 {strides = array<i32>} : memref<1x256x16xi32, #tpu.memory_space<vmem>>, vector<1x256x1xi32>,
    %reduce_max3A_428 = arith.constant dense<0xFF800000> : vector<256xf32>
    %reduce_max3A_429 = vector.multi_reduction <maximumf>, %select_n3A_416, %reduce_max3A_428 [1] : vector<256x2048xf32> to vector<256xf32>
    %broadcast_in_dim3A_430 = vector.shape_cast %reduce_max3A_429 : vector<256xf32> to vector<256x1xf32>
    %eq3A_431 = vector.broadcast %broadcast_in_dim3A_430 : vector<256x1xf32> to vector<256x2048xf32>
    %eq3A_432 = arith.cmpf oeq, %select_n3A_416, %eq3A_431 : vector<256x2048xf32>
    %jit3A_433 = arith.constant 2048 : i32
    %broadcast_in_dim3A_434 = vector.broadcast %jit3A_433 : i32 to vector<256x2048xi32>
    %select_n3A_435 = arith.select %eq3A_432, %iota3A, %broadcast_in_dim3A_434 : vector<256x2048xi1>, vector<256x2048xi32>
    %reduce_min3A_436 = arith.constant dense<2147483647> : vector<256xi32>
    %reduce_min3A_437 = vector.multi_reduction <minsi>, %select_n3A_435, %reduce_min3A_436 [1] : vector<256x2048xi32> to vector<256xi32>
    %broadcast_in_dim3A_438 = vector.shape_cast %reduce_min3A_437 : vector<256xi32> to vector<256x1xi32>
    %squeeze3A_439 = vector.shape_cast %broadcast_in_dim3A_438 : vector<256x1xi32> to vector<256xi32>
    %mul3A_440 = arith.constant 2048 : i32
    %mul3A_441 = arith.muli %arg0, %mul3A_440 : i32
    %add3A_442 = vector.broadcast %mul3A_441 : i32 to vector<256xi32>
    %add3A_443 = arith.addi %squeeze3A_439, %add3A_442 : vector<256xi32>
    %swap3A_444 = arith.constant 0 : index
    %swap3A_445 = arith.constant 0 : index
    %swap3A_446 = arith.constant 15 : index
    %swap3A_447 = vector.load %arg4[%swap3A_444, %swap3A_445, %swap3A_446] : memref<1x256x16xi32, #tpu.memory_space<vmem>>, vector<1x256x1xi32>
    %swap3A_448 = vector.shape_cast %swap3A_447 : vector<1x256x1xi32> to vector<256xi32>
    %swap3A_449 = vector.shape_cast %add3A_443 : vector<256xi32> to vector<1x256x1xi32>
    tpu.vector_store %arg4[%swap3A_444, %swap3A_445, %swap3A_446], %swap3A_449 {strides = array<i32>} : memref<1x256x16xi32, #tpu.memory_space<vmem>>, vector<1x256x1xi32>,
    return
  }
  func.func @transform_0(%arg0: i32, %arg1: i32) -> (i32, i32, i32) {
    %c0_i32 = arith.constant 0 : i32
    %c0_i32_0 = arith.constant 0 : i32
    %c0_i32_1 = arith.constant 0 : i32
    return %arg0, %c0_i32, %c0_i32_0 : i32, i32, i32
  }
  func.func @transform_1(%arg0: i32, %arg1: i32) -> (i32, i32, i32) {
    %c0_i32 = arith.constant 0 : i32
    %c0_i32_0 = arith.constant 0 : i32
    %c0_i32_1 = arith.constant 0 : i32
    return %arg0, %c0_i32, %c0_i32_0 : i32, i32, i32
  }
  func.func @transform_2(%arg0: i32, %arg1: i32) -> (i32, i32, i32) {
    %c0_i32 = arith.constant 0 : i32
    %c0_i32_0 = arith.constant 0 : i32
    return %arg0, %arg1, %c0_i32 : i32, i32, i32
  }
}

module attributes {stable_mosaic.version = 14 : i64} {
  func.func @_feat_body(%arg0: i32, %arg1: memref<1x2048x128xf32, #tpu.memory_space<vmem>>, %arg2: memref<128x64xf32, #tpu.memory_space<vmem>>, %arg3: memref<1x2048x64xf32, #tpu.memory_space<vmem>>) attributes {dimension_semantics = [#tpu.dimension_semantics<arbitrary>], iteration_bounds = array<i64: 4>, scalar_prefetch = 0 : i64, scratch_operands = 0 : i64, tpu.core_type = #tpu.core_type<tc>, window_params = [{transform_indices = @transform_0, window_bounds = array<i64: 1, 2048, 128>}, {pipeline_mode = #tpu.pipeline_mode<synchronous>, transform_indices = @transform_1, window_bounds = array<i64: 128, 64>}, {transform_indices = @transform_2, window_bounds = array<i64: 1, 2048, 64>}]} {
    %get3A = arith.constant 0 : index
    %get3A_0 = arith.constant 0 : index
    %get3A_1 = arith.constant 0 : index
    %get3A_2 = vector.load %arg1[%get3A, %get3A_0, %get3A_1] : memref<1x2048x128xf32, #tpu.memory_space<vmem>>, vector<1x2048x128xf32>
    %get3A_3 = vector.shape_cast %get3A_2 : vector<1x2048x128xf32> to vector<2048x128xf32>
    %convert_element_type3A = arith.truncf %get3A_3 : vector<2048x128xf32> to vector<2048x128xbf16>
    %get3A_4 = arith.constant 0 : index
    %get3A_5 = arith.constant 0 : index
    %get3A_6 = vector.load %arg2[%get3A_4, %get3A_5] : memref<128x64xf32, #tpu.memory_space<vmem>>, vector<128x64xf32>
    %convert_element_type3A_7 = arith.truncf %get3A_6 : vector<128x64xf32> to vector<128x64xbf16>
    %dot_general3A = arith.constant dense<0.000000e+00> : vector<2048x64xf32>
    %dot_general3A_8 = tpu.matmul %convert_element_type3A, %convert_element_type3A_7, %dot_general3A {dimension_numbers = #tpu.dot_dimension_numbers<[1], [0], [0], [1], [0, 0, 1, 1], [], []>, transpose_lhs_hint = false} : vector<2048x128xbf16>, vector<128x64xbf16>, vector<2048x64xf32> -> vector<2048x64xf32>
    %swap3A = arith.constant 0 : index
    %swap3A_9 = arith.constant 0 : index
    %swap3A_10 = arith.constant 0 : index
    %swap3A_11 = vector.load %arg3[%swap3A, %swap3A_9, %swap3A_10] : memref<1x2048x64xf32, #tpu.memory_space<vmem>>, vector<1x2048x64xf32>
    %swap3A_12 = vector.shape_cast %swap3A_11 : vector<1x2048x64xf32> to vector<2048x64xf32>
    %swap3A_13 = vector.shape_cast %dot_general3A_8 : vector<2048x64xf32> to vector<1x2048x64xf32>
    tpu.vector_store %arg3[%swap3A, %swap3A_9, %swap3A_10], %swap3A_13 {strides = array<i32>} : memref<1x2048x64xf32, #tpu.memory_space<vmem>>, vector<1x2048x64xf32>,
    return
  }
  func.func @transform_0(%arg0: i32) -> (i32, i32, i32) {
    %c0_i32 = arith.constant 0 : i32
    %c0_i32_0 = arith.constant 0 : i32
    %c0_i32_1 = arith.constant 0 : i32
    return %arg0, %c0_i32, %c0_i32_0 : i32, i32, i32
  }
  func.func @transform_1(%arg0: i32) -> (i32, i32) {
    %c0_i32 = arith.constant 0 : i32
    %c0_i32_0 = arith.constant 0 : i32
    %c0_i32_1 = arith.constant 0 : i32
    return %c0_i32, %c0_i32_0 : i32, i32
  }
  func.func @transform_2(%arg0: i32) -> (i32, i32, i32) {
    %c0_i32 = arith.constant 0 : i32
    %c0_i32_0 = arith.constant 0 : i32
    %c0_i32_1 = arith.constant 0 : i32
    return %arg0, %c0_i32, %c0_i32_0 : i32, i32, i32
  }
}

module attributes {stable_mosaic.version = 14 : i64} {
  func.func @_edge_body(%arg0: i32, %arg1: i32, %arg2: memref<1x4096x128xf32, #tpu.memory_space<vmem>>, %arg3: memref<1x256x128xf32, #tpu.memory_space<vmem>>, %arg4: memref<1x256x64xf32, #tpu.memory_space<vmem>>, %arg5: memref<128x64xf32, #tpu.memory_space<vmem>>, %arg6: memref<1x64xf32, #tpu.memory_space<vmem>>, %arg7: memref<1x256x64xf32, #tpu.memory_space<vmem>>, %arg8: memref<1x256x64xf32, #tpu.memory_space<vmem>>, %arg9: memref<1x256x64xf32, #tpu.memory_space<vmem>>) attributes {dimension_semantics = [#tpu.dimension_semantics<arbitrary>, #tpu.dimension_semantics<arbitrary>], iteration_bounds = array<i64: 4, 8>, scalar_prefetch = 0 : i64, scratch_operands = 0 : i64, tpu.core_type = #tpu.core_type<tc>, window_params = [{transform_indices = @transform_0, window_bounds = array<i64: 1, 4096, 128>}, {transform_indices = @transform_1, window_bounds = array<i64: 1, 256, 128>}, {transform_indices = @transform_2, window_bounds = array<i64: 1, 256, 64>}, {pipeline_mode = #tpu.pipeline_mode<synchronous>, transform_indices = @transform_3, window_bounds = array<i64: 128, 64>}, {pipeline_mode = #tpu.pipeline_mode<synchronous>, transform_indices = @transform_4, window_bounds = array<i64: 1, 64>}, {transform_indices = @transform_5, window_bounds = array<i64: 1, 256, 64>}, {transform_indices = @transform_6, window_bounds = array<i64: 1, 256, 64>}, {transform_indices = @transform_7, window_bounds = array<i64: 1, 256, 64>}]} {
    %get3A = arith.constant 0 : index
    %get3A_0 = arith.constant 0 : index
    %get3A_1 = arith.constant 0 : index
    %get3A_2 = vector.load %arg2[%get3A, %get3A_0, %get3A_1] : memref<1x4096x128xf32, #tpu.memory_space<vmem>>, vector<1x4096x128xf32>
    %get3A_3 = vector.shape_cast %get3A_2 : vector<1x4096x128xf32> to vector<4096x128xf32>
    %get3A_4 = arith.constant 0 : index
    %get3A_5 = arith.constant 0 : index
    %get3A_6 = arith.constant 0 : index
    %get3A_7 = vector.load %arg3[%get3A_4, %get3A_5, %get3A_6] : memref<1x256x128xf32, #tpu.memory_space<vmem>>, vector<1x256x128xf32>
    %get3A_8 = vector.shape_cast %get3A_7 : vector<1x256x128xf32> to vector<256x128xf32>
    %reshape3A = vector.shape_cast %get3A_3 : vector<4096x128xf32> to vector<256x16x128xf32>
    %broadcast_in_dim3A = vector.shape_cast %get3A_8 : vector<256x128xf32> to vector<256x1x128xf32>
    %sub3A = vector.broadcast %broadcast_in_dim3A : vector<256x1x128xf32> to vector<256x16x128xf32>
    %sub3A_9 = arith.subf %reshape3A, %sub3A : vector<256x16x128xf32>
    %convert_element_type3A = arith.truncf %sub3A_9 : vector<256x16x128xf32> to vector<256x16x128xbf16>
    %get3A_10 = arith.constant 0 : index
    %get3A_11 = arith.constant 0 : index
    %get3A_12 = vector.load %arg5[%get3A_10, %get3A_11] : memref<128x64xf32, #tpu.memory_space<vmem>>, vector<128x64xf32>
    %convert_element_type3A_13 = arith.truncf %get3A_12 : vector<128x64xf32> to vector<128x64xbf16>
    %reshape3A_14 = vector.shape_cast %convert_element_type3A : vector<256x16x128xbf16> to vector<4096x128xbf16>
    %dot_general3A = arith.constant dense<0.000000e+00> : vector<4096x64xf32>
    %dot_general3A_15 = tpu.matmul %reshape3A_14, %convert_element_type3A_13, %dot_general3A {dimension_numbers = #tpu.dot_dimension_numbers<[1], [0], [0], [1], [0, 0, 1, 1], [], []>, transpose_lhs_hint = false} : vector<4096x128xbf16>, vector<128x64xbf16>, vector<4096x64xf32> -> vector<4096x64xf32>
    %get3A_16 = arith.constant 0 : index
    %get3A_17 = arith.constant 0 : index
    %get3A_18 = arith.constant 0 : index
    %get3A_19 = vector.load %arg4[%get3A_16, %get3A_17, %get3A_18] : memref<1x256x64xf32, #tpu.memory_space<vmem>>, vector<1x256x64xf32>
    %get3A_20 = vector.shape_cast %get3A_19 : vector<1x256x64xf32> to vector<256x64xf32>
    %broadcast_in_dim3A_21 = vector.shape_cast %get3A_20 : vector<256x64xf32> to vector<256x1x64xf32>
    %reshape3A_22 = vector.shape_cast %dot_general3A_15 : vector<4096x64xf32> to vector<256x16x64xf32>
    %add3A = vector.broadcast %broadcast_in_dim3A_21 : vector<256x1x64xf32> to vector<256x16x64xf32>
    %add3A_23 = arith.addf %add3A, %reshape3A_22 : vector<256x16x64xf32>
    %get3A_24 = arith.constant 0 : index
    %get3A_25 = arith.constant 0 : index
    %get3A_26 = vector.load %arg6[%get3A_24, %get3A_25] : memref<1x64xf32, #tpu.memory_space<vmem>>, vector<1x64xf32>
    %broadcast_in_dim3A_27 = vector.shape_cast %get3A_26 : vector<1x64xf32> to vector<1x1x64xf32>
    %add3A_28 = vector.broadcast %broadcast_in_dim3A_27 : vector<1x1x64xf32> to vector<256x16x64xf32>
    %add3A_29 = arith.addf %add3A_23, %add3A_28 : vector<256x16x64xf32>
    %reduce_max3A = arith.constant dense<0xFF800000> : vector<256x64xf32>
    %reduce_max3A_30 = vector.multi_reduction <maximumf>, %add3A_29, %reduce_max3A [1] : vector<256x16x64xf32> to vector<256x64xf32>
    %swap3A = arith.constant 0 : index
    %swap3A_31 = arith.constant 0 : index
    %swap3A_32 = arith.constant 0 : index
    %swap3A_33 = vector.load %arg7[%swap3A, %swap3A_31, %swap3A_32] : memref<1x256x64xf32, #tpu.memory_space<vmem>>, vector<1x256x64xf32>
    %swap3A_34 = vector.shape_cast %swap3A_33 : vector<1x256x64xf32> to vector<256x64xf32>
    %swap3A_35 = vector.shape_cast %reduce_max3A_30 : vector<256x64xf32> to vector<1x256x64xf32>
    tpu.vector_store %arg7[%swap3A, %swap3A_31, %swap3A_32], %swap3A_35 {strides = array<i32>} : memref<1x256x64xf32, #tpu.memory_space<vmem>>, vector<1x256x64xf32>,
    %reduce_sum3A = arith.constant dense<0.000000e+00> : vector<256x64xf32>
    %reduce_sum3A_36 = vector.multi_reduction <add>, %add3A_29, %reduce_sum3A [1] : vector<256x16x64xf32> to vector<256x64xf32>
    %swap3A_37 = arith.constant 0 : index
    %swap3A_38 = arith.constant 0 : index
    %swap3A_39 = arith.constant 0 : index
    %swap3A_40 = vector.load %arg8[%swap3A_37, %swap3A_38, %swap3A_39] : memref<1x256x64xf32, #tpu.memory_space<vmem>>, vector<1x256x64xf32>
    %swap3A_41 = vector.shape_cast %swap3A_40 : vector<1x256x64xf32> to vector<256x64xf32>
    %swap3A_42 = vector.shape_cast %reduce_sum3A_36 : vector<256x64xf32> to vector<1x256x64xf32>
    tpu.vector_store %arg8[%swap3A_37, %swap3A_38, %swap3A_39], %swap3A_42 {strides = array<i32>} : memref<1x256x64xf32, #tpu.memory_space<vmem>>, vector<1x256x64xf32>,
    %mul3A = arith.mulf %add3A_29, %add3A_29 : vector<256x16x64xf32>
    %reduce_sum3A_43 = arith.constant dense<0.000000e+00> : vector<256x64xf32>
    %reduce_sum3A_44 = vector.multi_reduction <add>, %mul3A, %reduce_sum3A_43 [1] : vector<256x16x64xf32> to vector<256x64xf32>
    %swap3A_45 = arith.constant 0 : index
    %swap3A_46 = arith.constant 0 : index
    %swap3A_47 = arith.constant 0 : index
    %swap3A_48 = vector.load %arg9[%swap3A_45, %swap3A_46, %swap3A_47] : memref<1x256x64xf32, #tpu.memory_space<vmem>>, vector<1x256x64xf32>
    %swap3A_49 = vector.shape_cast %swap3A_48 : vector<1x256x64xf32> to vector<256x64xf32>
    %swap3A_50 = vector.shape_cast %reduce_sum3A_44 : vector<256x64xf32> to vector<1x256x64xf32>
    tpu.vector_store %arg9[%swap3A_45, %swap3A_46, %swap3A_47], %swap3A_50 {strides = array<i32>} : memref<1x256x64xf32, #tpu.memory_space<vmem>>, vector<1x256x64xf32>,
    return
  }
  func.func @transform_0(%arg0: i32, %arg1: i32) -> (i32, i32, i32) {
    %c0_i32 = arith.constant 0 : i32
    %c0_i32_0 = arith.constant 0 : i32
    return %arg0, %arg1, %c0_i32 : i32, i32, i32
  }
  func.func @transform_1(%arg0: i32, %arg1: i32) -> (i32, i32, i32) {
    %c0_i32 = arith.constant 0 : i32
    %c0_i32_0 = arith.constant 0 : i32
    return %arg0, %arg1, %c0_i32 : i32, i32, i32
  }
  func.func @transform_2(%arg0: i32, %arg1: i32) -> (i32, i32, i32) {
    %c0_i32 = arith.constant 0 : i32
    %c0_i32_0 = arith.constant 0 : i32
    return %arg0, %arg1, %c0_i32 : i32, i32, i32
  }
  func.func @transform_3(%arg0: i32, %arg1: i32) -> (i32, i32) {
    %c0_i32 = arith.constant 0 : i32
    %c0_i32_0 = arith.constant 0 : i32
    %c0_i32_1 = arith.constant 0 : i32
    return %c0_i32, %c0_i32_0 : i32, i32
  }
  func.func @transform_4(%arg0: i32, %arg1: i32) -> (i32, i32) {
    %c0_i32 = arith.constant 0 : i32
    %c0_i32_0 = arith.constant 0 : i32
    %c0_i32_1 = arith.constant 0 : i32
    return %c0_i32, %c0_i32_0 : i32, i32
  }
  func.func @transform_5(%arg0: i32, %arg1: i32) -> (i32, i32, i32) {
    %c0_i32 = arith.constant 0 : i32
    %c0_i32_0 = arith.constant 0 : i32
    return %arg0, %arg1, %c0_i32 : i32, i32, i32
  }
  func.func @transform_6(%arg0: i32, %arg1: i32) -> (i32, i32, i32) {
    %c0_i32 = arith.constant 0 : i32
    %c0_i32_0 = arith.constant 0 : i32
    return %arg0, %arg1, %c0_i32 : i32, i32, i32
  }
  func.func @transform_7(%arg0: i32, %arg1: i32) -> (i32, i32, i32) {
    %c0_i32 = arith.constant 0 : i32
    %c0_i32_0 = arith.constant 0 : i32
    return %arg0, %arg1, %c0_i32 : i32, i32, i32
  }
}

module attributes {stable_mosaic.version = 14 : i64} {
  func.func @_stats_body(%arg0: i32, %arg1: memref<1x2048x64xf32, #tpu.memory_space<vmem>>, %arg2: memref<1x2048x64xf32, #tpu.memory_space<vmem>>, %arg3: memref<2x64xf32, #tpu.memory_space<vmem>>, %arg4: memref<2x64xf32, #tpu.memory_space<vmem>>) attributes {dimension_semantics = [#tpu.dimension_semantics<arbitrary>], iteration_bounds = array<i64: 4>, scalar_prefetch = 0 : i64, scratch_operands = 1 : i64, tpu.core_type = #tpu.core_type<tc>, window_params = [{transform_indices = @transform_0, window_bounds = array<i64: 1, 2048, 64>}, {transform_indices = @transform_1, window_bounds = array<i64: 1, 2048, 64>}, {pipeline_mode = #tpu.pipeline_mode<synchronous>, transform_indices = @transform_2, window_bounds = array<i64: 2, 64>}]} {
    %eq3A = arith.constant 0 : i32
    %eq3A_0 = arith.cmpi eq, %arg0, %eq3A : i32
    %convert_element_type3A = arith.extui %eq3A_0 : i1 to i32
    %cond3A = arith.constant 0 : i32
    %cond3A_1 = arith.cmpi ne, %convert_element_type3A, %cond3A : i32
    scf.if %cond3A_1 {
      %broadcast_in_dim3A = arith.constant 0.000000e+00 : f32
      %broadcast_in_dim3A_37 = vector.broadcast %broadcast_in_dim3A : f32 to vector<2x64xf32>
      %swap3A_38 = arith.constant 0 : index
      %swap3A_39 = arith.constant 0 : index
      %swap3A_40 = vector.load %arg4[%swap3A_38, %swap3A_39] : memref<2x64xf32, #tpu.memory_space<vmem>>, vector<2x64xf32>
      tpu.vector_store %arg4[%swap3A_38, %swap3A_39], %broadcast_in_dim3A_37 {strides = array<i32>} : memref<2x64xf32, #tpu.memory_space<vmem>>, vector<2x64xf32>,
    } else {
    }
    %get3A = arith.constant 0 : index
    %get3A_2 = arith.constant 0 : index
    %get3A_3 = vector.load %arg4[%get3A, %get3A_2] : memref<2x64xf32, #tpu.memory_space<vmem>>, vector<1x64xf32>
    %get3A_4 = vector.shape_cast %get3A_3 : vector<1x64xf32> to vector<64xf32>
    %get3A_5 = arith.constant 0 : index
    %get3A_6 = arith.constant 0 : index
    %get3A_7 = arith.constant 0 : index
    %get3A_8 = vector.load %arg1[%get3A_5, %get3A_6, %get3A_7] : memref<1x2048x64xf32, #tpu.memory_space<vmem>>, vector<1x2048x64xf32>
    %get3A_9 = vector.shape_cast %get3A_8 : vector<1x2048x64xf32> to vector<2048x64xf32>
    %reduce_sum3A = arith.constant dense<0.000000e+00> : vector<64xf32>
    %reduce_sum3A_10 = vector.multi_reduction <add>, %get3A_9, %reduce_sum3A [0] : vector<2048x64xf32> to vector<64xf32>
    %add3A = arith.addf %get3A_4, %reduce_sum3A_10 : vector<64xf32>
    %swap3A = arith.constant 0 : index
    %swap3A_11 = arith.constant 0 : index
    %swap3A_12 = vector.load %arg4[%swap3A, %swap3A_11] : memref<2x64xf32, #tpu.memory_space<vmem>>, vector<1x64xf32>
    %swap3A_13 = vector.shape_cast %swap3A_12 : vector<1x64xf32> to vector<64xf32>
    %swap3A_14 = vector.shape_cast %add3A : vector<64xf32> to vector<1x64xf32>
    tpu.vector_store %arg4[%swap3A, %swap3A_11], %swap3A_14 {strides = array<i32>} : memref<2x64xf32, #tpu.memory_space<vmem>>, vector<1x64xf32>,
    %get3A_15 = arith.constant 1 : index
    %get3A_16 = arith.constant 0 : index
    %get3A_17 = vector.load %arg4[%get3A_15, %get3A_16] : memref<2x64xf32, #tpu.memory_space<vmem>>, vector<1x64xf32>
    %get3A_18 = vector.shape_cast %get3A_17 : vector<1x64xf32> to vector<64xf32>
    %get3A_19 = arith.constant 0 : index
    %get3A_20 = arith.constant 0 : index
    %get3A_21 = arith.constant 0 : index
    %get3A_22 = vector.load %arg2[%get3A_19, %get3A_20, %get3A_21] : memref<1x2048x64xf32, #tpu.memory_space<vmem>>, vector<1x2048x64xf32>
    %get3A_23 = vector.shape_cast %get3A_22 : vector<1x2048x64xf32> to vector<2048x64xf32>
    %reduce_sum3A_24 = arith.constant dense<0.000000e+00> : vector<64xf32>
    %reduce_sum3A_25 = vector.multi_reduction <add>, %get3A_23, %reduce_sum3A_24 [0] : vector<2048x64xf32> to vector<64xf32>
    %add3A_26 = arith.addf %get3A_18, %reduce_sum3A_25 : vector<64xf32>
    %swap3A_27 = arith.constant 1 : index
    %swap3A_28 = arith.constant 0 : index
    %swap3A_29 = vector.load %arg4[%swap3A_27, %swap3A_28] : memref<2x64xf32, #tpu.memory_space<vmem>>, vector<1x64xf32>
    %swap3A_30 = vector.shape_cast %swap3A_29 : vector<1x64xf32> to vector<64xf32>
    %swap3A_31 = vector.shape_cast %add3A_26 : vector<64xf32> to vector<1x64xf32>
    tpu.vector_store %arg4[%swap3A_27, %swap3A_28], %swap3A_31 {strides = array<i32>} : memref<2x64xf32, #tpu.memory_space<vmem>>, vector<1x64xf32>,
    %eq3A_32 = arith.constant 3 : i32
    %eq3A_33 = arith.cmpi eq, %arg0, %eq3A_32 : i32
    %convert_element_type3A_34 = arith.extui %eq3A_33 : i1 to i32
    %cond3A_35 = arith.constant 0 : i32
    %cond3A_36 = arith.cmpi ne, %convert_element_type3A_34, %cond3A_35 : i32
    scf.if %cond3A_36 {
      %get3A_37 = arith.constant 0 : index
      %get3A_38 = arith.constant 0 : index
      %get3A_39 = vector.load %arg4[%get3A_37, %get3A_38] : memref<2x64xf32, #tpu.memory_space<vmem>>, vector<1x64xf32>
      %get3A_40 = vector.shape_cast %get3A_39 : vector<1x64xf32> to vector<64xf32>
      %div3A = arith.constant 1.310720e+05 : f32
      %div3A_41 = vector.broadcast %div3A : f32 to vector<64xf32>
      %div3A_42 = arith.divf %get3A_40, %div3A_41 : vector<64xf32>
      %get3A_43 = arith.constant 1 : index
      %get3A_44 = arith.constant 0 : index
      %get3A_45 = vector.load %arg4[%get3A_43, %get3A_44] : memref<2x64xf32, #tpu.memory_space<vmem>>, vector<1x64xf32>
      %get3A_46 = vector.shape_cast %get3A_45 : vector<1x64xf32> to vector<64xf32>
      %div3A_47 = arith.constant 1.310720e+05 : f32
      %div3A_48 = vector.broadcast %div3A_47 : f32 to vector<64xf32>
      %div3A_49 = arith.divf %get3A_46, %div3A_48 : vector<64xf32>
      %mul3A = arith.mulf %div3A_42, %div3A_42 : vector<64xf32>
      %sub3A = arith.subf %div3A_49, %mul3A : vector<64xf32>
      %swap3A_50 = arith.constant 0 : index
      %swap3A_51 = arith.constant 0 : index
      %swap3A_52 = vector.load %arg3[%swap3A_50, %swap3A_51] : memref<2x64xf32, #tpu.memory_space<vmem>>, vector<1x64xf32>
      %swap3A_53 = vector.shape_cast %swap3A_52 : vector<1x64xf32> to vector<64xf32>
      %swap3A_54 = vector.shape_cast %div3A_42 : vector<64xf32> to vector<1x64xf32>
      tpu.vector_store %arg3[%swap3A_50, %swap3A_51], %swap3A_54 {strides = array<i32>} : memref<2x64xf32, #tpu.memory_space<vmem>>, vector<1x64xf32>,
      %add3A_55 = arith.constant 9.99999974E-6 : f32
      %add3A_56 = vector.broadcast %add3A_55 : f32 to vector<64xf32>
      %add3A_57 = arith.addf %sub3A, %add3A_56 : vector<64xf32>
      %sqrt3A = math.sqrt %add3A_57 : vector<64xf32>
      %swap3A_58 = arith.constant 1 : index
      %swap3A_59 = arith.constant 0 : index
      %swap3A_60 = vector.load %arg3[%swap3A_58, %swap3A_59] : memref<2x64xf32, #tpu.memory_space<vmem>>, vector<1x64xf32>
      %swap3A_61 = vector.shape_cast %swap3A_60 : vector<1x64xf32> to vector<64xf32>
      %swap3A_62 = vector.shape_cast %sqrt3A : vector<64xf32> to vector<1x64xf32>
      tpu.vector_store %arg3[%swap3A_58, %swap3A_59], %swap3A_62 {strides = array<i32>} : memref<2x64xf32, #tpu.memory_space<vmem>>, vector<1x64xf32>,
    } else {
    }
    return
  }
  func.func @transform_0(%arg0: i32) -> (i32, i32, i32) {
    %c0_i32 = arith.constant 0 : i32
    %c0_i32_0 = arith.constant 0 : i32
    %c0_i32_1 = arith.constant 0 : i32
    return %arg0, %c0_i32, %c0_i32_0 : i32, i32, i32
  }
  func.func @transform_1(%arg0: i32) -> (i32, i32, i32) {
    %c0_i32 = arith.constant 0 : i32
    %c0_i32_0 = arith.constant 0 : i32
    %c0_i32_1 = arith.constant 0 : i32
    return %arg0, %c0_i32, %c0_i32_0 : i32, i32, i32
  }
  func.func @transform_2(%arg0: i32) -> (i32, i32) {
    %c0_i32 = arith.constant 0 : i32
    %c0_i32_0 = arith.constant 0 : i32
    %c0_i32_1 = arith.constant 0 : i32
    return %c0_i32, %c0_i32_0 : i32, i32
  }
}

module attributes {stable_mosaic.version = 14 : i64} {
  func.func @_apply_body(%arg0: i32, %arg1: memref<1x2048x64xf32, #tpu.memory_space<vmem>>, %arg2: memref<2x64xf32, #tpu.memory_space<vmem>>, %arg3: memref<1x64xf32, #tpu.memory_space<vmem>>, %arg4: memref<1x64xf32, #tpu.memory_space<vmem>>, %arg5: memref<1x2048x64xf32, #tpu.memory_space<vmem>>) attributes {dimension_semantics = [#tpu.dimension_semantics<arbitrary>], iteration_bounds = array<i64: 4>, scalar_prefetch = 0 : i64, scratch_operands = 0 : i64, tpu.core_type = #tpu.core_type<tc>, window_params = [{transform_indices = @transform_0, window_bounds = array<i64: 1, 2048, 64>}, {pipeline_mode = #tpu.pipeline_mode<synchronous>, transform_indices = @transform_1, window_bounds = array<i64: 2, 64>}, {pipeline_mode = #tpu.pipeline_mode<synchronous>, transform_indices = @transform_2, window_bounds = array<i64: 1, 64>}, {pipeline_mode = #tpu.pipeline_mode<synchronous>, transform_indices = @transform_3, window_bounds = array<i64: 1, 64>}, {transform_indices = @transform_4, window_bounds = array<i64: 1, 2048, 64>}]} {
    %get3A = arith.constant 0 : index
    %get3A_0 = arith.constant 0 : index
    %get3A_1 = arith.constant 0 : index
    %get3A_2 = vector.load %arg1[%get3A, %get3A_0, %get3A_1] : memref<1x2048x64xf32, #tpu.memory_space<vmem>>, vector<1x2048x64xf32>
    %get3A_3 = vector.shape_cast %get3A_2 : vector<1x2048x64xf32> to vector<2048x64xf32>
    %get3A_4 = arith.constant 0 : index
    %get3A_5 = arith.constant 0 : index
    %get3A_6 = vector.load %arg2[%get3A_4, %get3A_5] : memref<2x64xf32, #tpu.memory_space<vmem>>, vector<1x64xf32>
    %get3A_7 = vector.shape_cast %get3A_6 : vector<1x64xf32> to vector<64xf32>
    %broadcast_in_dim3A = vector.shape_cast %get3A_7 : vector<64xf32> to vector<1x64xf32>
    %sub3A = vector.broadcast %broadcast_in_dim3A : vector<1x64xf32> to vector<2048x64xf32>
    %sub3A_8 = arith.subf %get3A_3, %sub3A : vector<2048x64xf32>
    %get3A_9 = arith.constant 1 : index
    %get3A_10 = arith.constant 0 : index
    %get3A_11 = vector.load %arg2[%get3A_9, %get3A_10] : memref<2x64xf32, #tpu.memory_space<vmem>>, vector<1x64xf32>
    %get3A_12 = vector.shape_cast %get3A_11 : vector<1x64xf32> to vector<64xf32>
    %broadcast_in_dim3A_13 = vector.shape_cast %get3A_12 : vector<64xf32> to vector<1x64xf32>
    %div3A = vector.broadcast %broadcast_in_dim3A_13 : vector<1x64xf32> to vector<2048x64xf32>
    %div3A_14 = arith.divf %sub3A_8, %div3A : vector<2048x64xf32>
    %get3A_15 = arith.constant 0 : index
    %get3A_16 = arith.constant 0 : index
    %get3A_17 = vector.load %arg3[%get3A_15, %get3A_16] : memref<1x64xf32, #tpu.memory_space<vmem>>, vector<1x64xf32>
    %mul3A = vector.broadcast %get3A_17 : vector<1x64xf32> to vector<2048x64xf32>
    %mul3A_18 = arith.mulf %div3A_14, %mul3A : vector<2048x64xf32>
    %get3A_19 = arith.constant 0 : index
    %get3A_20 = arith.constant 0 : index
    %get3A_21 = vector.load %arg4[%get3A_19, %get3A_20] : memref<1x64xf32, #tpu.memory_space<vmem>>, vector<1x64xf32>
    %add3A = vector.broadcast %get3A_21 : vector<1x64xf32> to vector<2048x64xf32>
    %add3A_22 = arith.addf %mul3A_18, %add3A : vector<2048x64xf32>
    %ge3A = arith.constant 0.000000e+00 : f32
    %ge3A_23 = vector.broadcast %ge3A : f32 to vector<2048x64xf32>
    %ge3A_24 = arith.cmpf oge, %add3A_22, %ge3A_23 : vector<2048x64xf32>
    %mul3A_25 = arith.constant 2.000000e-01 : f32
    %mul3A_26 = vector.broadcast %mul3A_25 : f32 to vector<2048x64xf32>
    %mul3A_27 = arith.mulf %mul3A_26, %add3A_22 : vector<2048x64xf32>
    %select_n3A = arith.select %ge3A_24, %add3A_22, %mul3A_27 : vector<2048x64xi1>, vector<2048x64xf32>
    %swap3A = arith.constant 0 : index
    %swap3A_28 = arith.constant 0 : index
    %swap3A_29 = arith.constant 0 : index
    %swap3A_30 = vector.load %arg5[%swap3A, %swap3A_28, %swap3A_29] : memref<1x2048x64xf32, #tpu.memory_space<vmem>>, vector<1x2048x64xf32>
    %swap3A_31 = vector.shape_cast %swap3A_30 : vector<1x2048x64xf32> to vector<2048x64xf32>
    %swap3A_32 = vector.shape_cast %select_n3A : vector<2048x64xf32> to vector<1x2048x64xf32>
    tpu.vector_store %arg5[%swap3A, %swap3A_28, %swap3A_29], %swap3A_32 {strides = array<i32>} : memref<1x2048x64xf32, #tpu.memory_space<vmem>>, vector<1x2048x64xf32>,
    return
  }
  func.func @transform_0(%arg0: i32) -> (i32, i32, i32) {
    %c0_i32 = arith.constant 0 : i32
    %c0_i32_0 = arith.constant 0 : i32
    %c0_i32_1 = arith.constant 0 : i32
    return %arg0, %c0_i32, %c0_i32_0 : i32, i32, i32
  }
  func.func @transform_1(%arg0: i32) -> (i32, i32) {
    %c0_i32 = arith.constant 0 : i32
    %c0_i32_0 = arith.constant 0 : i32
    %c0_i32_1 = arith.constant 0 : i32
    return %c0_i32, %c0_i32_0 : i32, i32
  }
  func.func @transform_2(%arg0: i32) -> (i32, i32) {
    %c0_i32 = arith.constant 0 : i32
    %c0_i32_0 = arith.constant 0 : i32
    %c0_i32_1 = arith.constant 0 : i32
    return %c0_i32, %c0_i32_0 : i32, i32
  }
  func.func @transform_3(%arg0: i32) -> (i32, i32) {
    %c0_i32 = arith.constant 0 : i32
    %c0_i32_0 = arith.constant 0 : i32
    %c0_i32_1 = arith.constant 0 : i32
    return %c0_i32, %c0_i32_0 : i32, i32
  }
  func.func @transform_4(%arg0: i32) -> (i32, i32, i32) {
    %c0_i32 = arith.constant 0 : i32
    %c0_i32_0 = arith.constant 0 : i32
    %c0_i32_1 = arith.constant 0 : i32
    return %arg0, %c0_i32, %c0_i32_0 : i32, i32, i32
  }
}

module attributes {stable_mosaic.version = 14 : i64} {
  func.func @_feat_body(%arg0: i32, %arg1: memref<1x2048x128xf32, #tpu.memory_space<vmem>>, %arg2: memref<128x128xf32, #tpu.memory_space<vmem>>, %arg3: memref<1x2048x128xf32, #tpu.memory_space<vmem>>) attributes {dimension_semantics = [#tpu.dimension_semantics<arbitrary>], iteration_bounds = array<i64: 4>, scalar_prefetch = 0 : i64, scratch_operands = 0 : i64, tpu.core_type = #tpu.core_type<tc>, window_params = [{transform_indices = @transform_0, window_bounds = array<i64: 1, 2048, 128>}, {pipeline_mode = #tpu.pipeline_mode<synchronous>, transform_indices = @transform_1, window_bounds = array<i64: 128, 128>}, {transform_indices = @transform_2, window_bounds = array<i64: 1, 2048, 128>}]} {
    %get3A = arith.constant 0 : index
    %get3A_0 = arith.constant 0 : index
    %get3A_1 = arith.constant 0 : index
    %get3A_2 = vector.load %arg1[%get3A, %get3A_0, %get3A_1] : memref<1x2048x128xf32, #tpu.memory_space<vmem>>, vector<1x2048x128xf32>
    %get3A_3 = vector.shape_cast %get3A_2 : vector<1x2048x128xf32> to vector<2048x128xf32>
    %convert_element_type3A = arith.truncf %get3A_3 : vector<2048x128xf32> to vector<2048x128xbf16>
    %get3A_4 = arith.constant 0 : index
    %get3A_5 = arith.constant 0 : index
    %get3A_6 = vector.load %arg2[%get3A_4, %get3A_5] : memref<128x128xf32, #tpu.memory_space<vmem>>, vector<128x128xf32>
    %convert_element_type3A_7 = arith.truncf %get3A_6 : vector<128x128xf32> to vector<128x128xbf16>
    %dot_general3A = arith.constant dense<0.000000e+00> : vector<2048x128xf32>
    %dot_general3A_8 = tpu.matmul %convert_element_type3A, %convert_element_type3A_7, %dot_general3A {dimension_numbers = #tpu.dot_dimension_numbers<[1], [0], [0], [1], [0, 0, 1, 1], [], []>, transpose_lhs_hint = false} : vector<2048x128xbf16>, vector<128x128xbf16>, vector<2048x128xf32> -> vector<2048x128xf32>
    %swap3A = arith.constant 0 : index
    %swap3A_9 = arith.constant 0 : index
    %swap3A_10 = arith.constant 0 : index
    %swap3A_11 = vector.load %arg3[%swap3A, %swap3A_9, %swap3A_10] : memref<1x2048x128xf32, #tpu.memory_space<vmem>>, vector<1x2048x128xf32>
    %swap3A_12 = vector.shape_cast %swap3A_11 : vector<1x2048x128xf32> to vector<2048x128xf32>
    %swap3A_13 = vector.shape_cast %dot_general3A_8 : vector<2048x128xf32> to vector<1x2048x128xf32>
    tpu.vector_store %arg3[%swap3A, %swap3A_9, %swap3A_10], %swap3A_13 {strides = array<i32>} : memref<1x2048x128xf32, #tpu.memory_space<vmem>>, vector<1x2048x128xf32>,
    return
  }
  func.func @transform_0(%arg0: i32) -> (i32, i32, i32) {
    %c0_i32 = arith.constant 0 : i32
    %c0_i32_0 = arith.constant 0 : i32
    %c0_i32_1 = arith.constant 0 : i32
    return %arg0, %c0_i32, %c0_i32_0 : i32, i32, i32
  }
  func.func @transform_1(%arg0: i32) -> (i32, i32) {
    %c0_i32 = arith.constant 0 : i32
    %c0_i32_0 = arith.constant 0 : i32
    %c0_i32_1 = arith.constant 0 : i32
    return %c0_i32, %c0_i32_0 : i32, i32
  }
  func.func @transform_2(%arg0: i32) -> (i32, i32, i32) {
    %c0_i32 = arith.constant 0 : i32
    %c0_i32_0 = arith.constant 0 : i32
    %c0_i32_1 = arith.constant 0 : i32
    return %arg0, %c0_i32, %c0_i32_0 : i32, i32, i32
  }
}

module attributes {stable_mosaic.version = 14 : i64} {
  func.func @_edge_body(%arg0: i32, %arg1: i32, %arg2: memref<1x4096x128xf32, #tpu.memory_space<vmem>>, %arg3: memref<1x256x128xf32, #tpu.memory_space<vmem>>, %arg4: memref<1x256x128xf32, #tpu.memory_space<vmem>>, %arg5: memref<128x128xf32, #tpu.memory_space<vmem>>, %arg6: memref<1x128xf32, #tpu.memory_space<vmem>>, %arg7: memref<1x256x128xf32, #tpu.memory_space<vmem>>, %arg8: memref<1x256x128xf32, #tpu.memory_space<vmem>>, %arg9: memref<1x256x128xf32, #tpu.memory_space<vmem>>) attributes {dimension_semantics = [#tpu.dimension_semantics<arbitrary>, #tpu.dimension_semantics<arbitrary>], iteration_bounds = array<i64: 4, 8>, scalar_prefetch = 0 : i64, scratch_operands = 0 : i64, tpu.core_type = #tpu.core_type<tc>, window_params = [{transform_indices = @transform_0, window_bounds = array<i64: 1, 4096, 128>}, {transform_indices = @transform_1, window_bounds = array<i64: 1, 256, 128>}, {transform_indices = @transform_2, window_bounds = array<i64: 1, 256, 128>}, {pipeline_mode = #tpu.pipeline_mode<synchronous>, transform_indices = @transform_3, window_bounds = array<i64: 128, 128>}, {pipeline_mode = #tpu.pipeline_mode<synchronous>, transform_indices = @transform_4, window_bounds = array<i64: 1, 128>}, {transform_indices = @transform_5, window_bounds = array<i64: 1, 256, 128>}, {transform_indices = @transform_6, window_bounds = array<i64: 1, 256, 128>}, {transform_indices = @transform_7, window_bounds = array<i64: 1, 256, 128>}]} {
    %get3A = arith.constant 0 : index
    %get3A_0 = arith.constant 0 : index
    %get3A_1 = arith.constant 0 : index
    %get3A_2 = vector.load %arg2[%get3A, %get3A_0, %get3A_1] : memref<1x4096x128xf32, #tpu.memory_space<vmem>>, vector<1x4096x128xf32>
    %get3A_3 = vector.shape_cast %get3A_2 : vector<1x4096x128xf32> to vector<4096x128xf32>
    %get3A_4 = arith.constant 0 : index
    %get3A_5 = arith.constant 0 : index
    %get3A_6 = arith.constant 0 : index
    %get3A_7 = vector.load %arg3[%get3A_4, %get3A_5, %get3A_6] : memref<1x256x128xf32, #tpu.memory_space<vmem>>, vector<1x256x128xf32>
    %get3A_8 = vector.shape_cast %get3A_7 : vector<1x256x128xf32> to vector<256x128xf32>
    %reshape3A = vector.shape_cast %get3A_3 : vector<4096x128xf32> to vector<256x16x128xf32>
    %broadcast_in_dim3A = vector.shape_cast %get3A_8 : vector<256x128xf32> to vector<256x1x128xf32>
    %sub3A = vector.broadcast %broadcast_in_dim3A : vector<256x1x128xf32> to vector<256x16x128xf32>
    %sub3A_9 = arith.subf %reshape3A, %sub3A : vector<256x16x128xf32>
    %convert_element_type3A = arith.truncf %sub3A_9 : vector<256x16x128xf32> to vector<256x16x128xbf16>
    %get3A_10 = arith.constant 0 : index
    %get3A_11 = arith.constant 0 : index
    %get3A_12 = vector.load %arg5[%get3A_10, %get3A_11] : memref<128x128xf32, #tpu.memory_space<vmem>>, vector<128x128xf32>
    %convert_element_type3A_13 = arith.truncf %get3A_12 : vector<128x128xf32> to vector<128x128xbf16>
    %reshape3A_14 = vector.shape_cast %convert_element_type3A : vector<256x16x128xbf16> to vector<4096x128xbf16>
    %dot_general3A = arith.constant dense<0.000000e+00> : vector<4096x128xf32>
    %dot_general3A_15 = tpu.matmul %reshape3A_14, %convert_element_type3A_13, %dot_general3A {dimension_numbers = #tpu.dot_dimension_numbers<[1], [0], [0], [1], [0, 0, 1, 1], [], []>, transpose_lhs_hint = false} : vector<4096x128xbf16>, vector<128x128xbf16>, vector<4096x128xf32> -> vector<4096x128xf32>
    %get3A_16 = arith.constant 0 : index
    %get3A_17 = arith.constant 0 : index
    %get3A_18 = arith.constant 0 : index
    %get3A_19 = vector.load %arg4[%get3A_16, %get3A_17, %get3A_18] : memref<1x256x128xf32, #tpu.memory_space<vmem>>, vector<1x256x128xf32>
    %get3A_20 = vector.shape_cast %get3A_19 : vector<1x256x128xf32> to vector<256x128xf32>
    %broadcast_in_dim3A_21 = vector.shape_cast %get3A_20 : vector<256x128xf32> to vector<256x1x128xf32>
    %reshape3A_22 = vector.shape_cast %dot_general3A_15 : vector<4096x128xf32> to vector<256x16x128xf32>
    %add3A = vector.broadcast %broadcast_in_dim3A_21 : vector<256x1x128xf32> to vector<256x16x128xf32>
    %add3A_23 = arith.addf %add3A, %reshape3A_22 : vector<256x16x128xf32>
    %get3A_24 = arith.constant 0 : index
    %get3A_25 = arith.constant 0 : index
    %get3A_26 = vector.load %arg6[%get3A_24, %get3A_25] : memref<1x128xf32, #tpu.memory_space<vmem>>, vector<1x128xf32>
    %broadcast_in_dim3A_27 = vector.shape_cast %get3A_26 : vector<1x128xf32> to vector<1x1x128xf32>
    %add3A_28 = vector.broadcast %broadcast_in_dim3A_27 : vector<1x1x128xf32> to vector<256x16x128xf32>
    %add3A_29 = arith.addf %add3A_23, %add3A_28 : vector<256x16x128xf32>
    %reduce_max3A = arith.constant dense<0xFF800000> : vector<256x128xf32>
    %reduce_max3A_30 = vector.multi_reduction <maximumf>, %add3A_29, %reduce_max3A [1] : vector<256x16x128xf32> to vector<256x128xf32>
    %swap3A = arith.constant 0 : index
    %swap3A_31 = arith.constant 0 : index
    %swap3A_32 = arith.constant 0 : index
    %swap3A_33 = vector.load %arg7[%swap3A, %swap3A_31, %swap3A_32] : memref<1x256x128xf32, #tpu.memory_space<vmem>>, vector<1x256x128xf32>
    %swap3A_34 = vector.shape_cast %swap3A_33 : vector<1x256x128xf32> to vector<256x128xf32>
    %swap3A_35 = vector.shape_cast %reduce_max3A_30 : vector<256x128xf32> to vector<1x256x128xf32>
    tpu.vector_store %arg7[%swap3A, %swap3A_31, %swap3A_32], %swap3A_35 {strides = array<i32>} : memref<1x256x128xf32, #tpu.memory_space<vmem>>, vector<1x256x128xf32>,
    %reduce_sum3A = arith.constant dense<0.000000e+00> : vector<256x128xf32>
    %reduce_sum3A_36 = vector.multi_reduction <add>, %add3A_29, %reduce_sum3A [1] : vector<256x16x128xf32> to vector<256x128xf32>
    %swap3A_37 = arith.constant 0 : index
    %swap3A_38 = arith.constant 0 : index
    %swap3A_39 = arith.constant 0 : index
    %swap3A_40 = vector.load %arg8[%swap3A_37, %swap3A_38, %swap3A_39] : memref<1x256x128xf32, #tpu.memory_space<vmem>>, vector<1x256x128xf32>
    %swap3A_41 = vector.shape_cast %swap3A_40 : vector<1x256x128xf32> to vector<256x128xf32>
    %swap3A_42 = vector.shape_cast %reduce_sum3A_36 : vector<256x128xf32> to vector<1x256x128xf32>
    tpu.vector_store %arg8[%swap3A_37, %swap3A_38, %swap3A_39], %swap3A_42 {strides = array<i32>} : memref<1x256x128xf32, #tpu.memory_space<vmem>>, vector<1x256x128xf32>,
    %mul3A = arith.mulf %add3A_29, %add3A_29 : vector<256x16x128xf32>
    %reduce_sum3A_43 = arith.constant dense<0.000000e+00> : vector<256x128xf32>
    %reduce_sum3A_44 = vector.multi_reduction <add>, %mul3A, %reduce_sum3A_43 [1] : vector<256x16x128xf32> to vector<256x128xf32>
    %swap3A_45 = arith.constant 0 : index
    %swap3A_46 = arith.constant 0 : index
    %swap3A_47 = arith.constant 0 : index
    %swap3A_48 = vector.load %arg9[%swap3A_45, %swap3A_46, %swap3A_47] : memref<1x256x128xf32, #tpu.memory_space<vmem>>, vector<1x256x128xf32>
    %swap3A_49 = vector.shape_cast %swap3A_48 : vector<1x256x128xf32> to vector<256x128xf32>
    %swap3A_50 = vector.shape_cast %reduce_sum3A_44 : vector<256x128xf32> to vector<1x256x128xf32>
    tpu.vector_store %arg9[%swap3A_45, %swap3A_46, %swap3A_47], %swap3A_50 {strides = array<i32>} : memref<1x256x128xf32, #tpu.memory_space<vmem>>, vector<1x256x128xf32>,
    return
  }
  func.func @transform_0(%arg0: i32, %arg1: i32) -> (i32, i32, i32) {
    %c0_i32 = arith.constant 0 : i32
    %c0_i32_0 = arith.constant 0 : i32
    return %arg0, %arg1, %c0_i32 : i32, i32, i32
  }
  func.func @transform_1(%arg0: i32, %arg1: i32) -> (i32, i32, i32) {
    %c0_i32 = arith.constant 0 : i32
    %c0_i32_0 = arith.constant 0 : i32
    return %arg0, %arg1, %c0_i32 : i32, i32, i32
  }
  func.func @transform_2(%arg0: i32, %arg1: i32) -> (i32, i32, i32) {
    %c0_i32 = arith.constant 0 : i32
    %c0_i32_0 = arith.constant 0 : i32
    return %arg0, %arg1, %c0_i32 : i32, i32, i32
  }
  func.func @transform_3(%arg0: i32, %arg1: i32) -> (i32, i32) {
    %c0_i32 = arith.constant 0 : i32
    %c0_i32_0 = arith.constant 0 : i32
    %c0_i32_1 = arith.constant 0 : i32
    return %c0_i32, %c0_i32_0 : i32, i32
  }
  func.func @transform_4(%arg0: i32, %arg1: i32) -> (i32, i32) {
    %c0_i32 = arith.constant 0 : i32
    %c0_i32_0 = arith.constant 0 : i32
    %c0_i32_1 = arith.constant 0 : i32
    return %c0_i32, %c0_i32_0 : i32, i32
  }
  func.func @transform_5(%arg0: i32, %arg1: i32) -> (i32, i32, i32) {
    %c0_i32 = arith.constant 0 : i32
    %c0_i32_0 = arith.constant 0 : i32
    return %arg0, %arg1, %c0_i32 : i32, i32, i32
  }
  func.func @transform_6(%arg0: i32, %arg1: i32) -> (i32, i32, i32) {
    %c0_i32 = arith.constant 0 : i32
    %c0_i32_0 = arith.constant 0 : i32
    return %arg0, %arg1, %c0_i32 : i32, i32, i32
  }
  func.func @transform_7(%arg0: i32, %arg1: i32) -> (i32, i32, i32) {
    %c0_i32 = arith.constant 0 : i32
    %c0_i32_0 = arith.constant 0 : i32
    return %arg0, %arg1, %c0_i32 : i32, i32, i32
  }
}

module attributes {stable_mosaic.version = 14 : i64} {
  func.func @_stats_body(%arg0: i32, %arg1: memref<1x2048x128xf32, #tpu.memory_space<vmem>>, %arg2: memref<1x2048x128xf32, #tpu.memory_space<vmem>>, %arg3: memref<2x128xf32, #tpu.memory_space<vmem>>, %arg4: memref<2x128xf32, #tpu.memory_space<vmem>>) attributes {dimension_semantics = [#tpu.dimension_semantics<arbitrary>], iteration_bounds = array<i64: 4>, scalar_prefetch = 0 : i64, scratch_operands = 1 : i64, tpu.core_type = #tpu.core_type<tc>, window_params = [{transform_indices = @transform_0, window_bounds = array<i64: 1, 2048, 128>}, {transform_indices = @transform_1, window_bounds = array<i64: 1, 2048, 128>}, {pipeline_mode = #tpu.pipeline_mode<synchronous>, transform_indices = @transform_2, window_bounds = array<i64: 2, 128>}]} {
    %eq3A = arith.constant 0 : i32
    %eq3A_0 = arith.cmpi eq, %arg0, %eq3A : i32
    %convert_element_type3A = arith.extui %eq3A_0 : i1 to i32
    %cond3A = arith.constant 0 : i32
    %cond3A_1 = arith.cmpi ne, %convert_element_type3A, %cond3A : i32
    scf.if %cond3A_1 {
      %broadcast_in_dim3A = arith.constant 0.000000e+00 : f32
      %broadcast_in_dim3A_37 = vector.broadcast %broadcast_in_dim3A : f32 to vector<2x128xf32>
      %swap3A_38 = arith.constant 0 : index
      %swap3A_39 = arith.constant 0 : index
      %swap3A_40 = vector.load %arg4[%swap3A_38, %swap3A_39] : memref<2x128xf32, #tpu.memory_space<vmem>>, vector<2x128xf32>
      tpu.vector_store %arg4[%swap3A_38, %swap3A_39], %broadcast_in_dim3A_37 {strides = array<i32>} : memref<2x128xf32, #tpu.memory_space<vmem>>, vector<2x128xf32>,
    } else {
    }
    %get3A = arith.constant 0 : index
    %get3A_2 = arith.constant 0 : index
    %get3A_3 = vector.load %arg4[%get3A, %get3A_2] : memref<2x128xf32, #tpu.memory_space<vmem>>, vector<1x128xf32>
    %get3A_4 = vector.shape_cast %get3A_3 : vector<1x128xf32> to vector<128xf32>
    %get3A_5 = arith.constant 0 : index
    %get3A_6 = arith.constant 0 : index
    %get3A_7 = arith.constant 0 : index
    %get3A_8 = vector.load %arg1[%get3A_5, %get3A_6, %get3A_7] : memref<1x2048x128xf32, #tpu.memory_space<vmem>>, vector<1x2048x128xf32>
    %get3A_9 = vector.shape_cast %get3A_8 : vector<1x2048x128xf32> to vector<2048x128xf32>
    %reduce_sum3A = arith.constant dense<0.000000e+00> : vector<128xf32>
    %reduce_sum3A_10 = vector.multi_reduction <add>, %get3A_9, %reduce_sum3A [0] : vector<2048x128xf32> to vector<128xf32>
    %add3A = arith.addf %get3A_4, %reduce_sum3A_10 : vector<128xf32>
    %swap3A = arith.constant 0 : index
    %swap3A_11 = arith.constant 0 : index
    %swap3A_12 = vector.load %arg4[%swap3A, %swap3A_11] : memref<2x128xf32, #tpu.memory_space<vmem>>, vector<1x128xf32>
    %swap3A_13 = vector.shape_cast %swap3A_12 : vector<1x128xf32> to vector<128xf32>
    %swap3A_14 = vector.shape_cast %add3A : vector<128xf32> to vector<1x128xf32>
    tpu.vector_store %arg4[%swap3A, %swap3A_11], %swap3A_14 {strides = array<i32>} : memref<2x128xf32, #tpu.memory_space<vmem>>, vector<1x128xf32>,
    %get3A_15 = arith.constant 1 : index
    %get3A_16 = arith.constant 0 : index
    %get3A_17 = vector.load %arg4[%get3A_15, %get3A_16] : memref<2x128xf32, #tpu.memory_space<vmem>>, vector<1x128xf32>
    %get3A_18 = vector.shape_cast %get3A_17 : vector<1x128xf32> to vector<128xf32>
    %get3A_19 = arith.constant 0 : index
    %get3A_20 = arith.constant 0 : index
    %get3A_21 = arith.constant 0 : index
    %get3A_22 = vector.load %arg2[%get3A_19, %get3A_20, %get3A_21] : memref<1x2048x128xf32, #tpu.memory_space<vmem>>, vector<1x2048x128xf32>
    %get3A_23 = vector.shape_cast %get3A_22 : vector<1x2048x128xf32> to vector<2048x128xf32>
    %reduce_sum3A_24 = arith.constant dense<0.000000e+00> : vector<128xf32>
    %reduce_sum3A_25 = vector.multi_reduction <add>, %get3A_23, %reduce_sum3A_24 [0] : vector<2048x128xf32> to vector<128xf32>
    %add3A_26 = arith.addf %get3A_18, %reduce_sum3A_25 : vector<128xf32>
    %swap3A_27 = arith.constant 1 : index
    %swap3A_28 = arith.constant 0 : index
    %swap3A_29 = vector.load %arg4[%swap3A_27, %swap3A_28] : memref<2x128xf32, #tpu.memory_space<vmem>>, vector<1x128xf32>
    %swap3A_30 = vector.shape_cast %swap3A_29 : vector<1x128xf32> to vector<128xf32>
    %swap3A_31 = vector.shape_cast %add3A_26 : vector<128xf32> to vector<1x128xf32>
    tpu.vector_store %arg4[%swap3A_27, %swap3A_28], %swap3A_31 {strides = array<i32>} : memref<2x128xf32, #tpu.memory_space<vmem>>, vector<1x128xf32>,
    %eq3A_32 = arith.constant 3 : i32
    %eq3A_33 = arith.cmpi eq, %arg0, %eq3A_32 : i32
    %convert_element_type3A_34 = arith.extui %eq3A_33 : i1 to i32
    %cond3A_35 = arith.constant 0 : i32
    %cond3A_36 = arith.cmpi ne, %convert_element_type3A_34, %cond3A_35 : i32
    scf.if %cond3A_36 {
      %get3A_37 = arith.constant 0 : index
      %get3A_38 = arith.constant 0 : index
      %get3A_39 = vector.load %arg4[%get3A_37, %get3A_38] : memref<2x128xf32, #tpu.memory_space<vmem>>, vector<1x128xf32>
      %get3A_40 = vector.shape_cast %get3A_39 : vector<1x128xf32> to vector<128xf32>
      %div3A = arith.constant 1.310720e+05 : f32
      %div3A_41 = vector.broadcast %div3A : f32 to vector<128xf32>
      %div3A_42 = arith.divf %get3A_40, %div3A_41 : vector<128xf32>
      %get3A_43 = arith.constant 1 : index
      %get3A_44 = arith.constant 0 : index
      %get3A_45 = vector.load %arg4[%get3A_43, %get3A_44] : memref<2x128xf32, #tpu.memory_space<vmem>>, vector<1x128xf32>
      %get3A_46 = vector.shape_cast %get3A_45 : vector<1x128xf32> to vector<128xf32>
      %div3A_47 = arith.constant 1.310720e+05 : f32
      %div3A_48 = vector.broadcast %div3A_47 : f32 to vector<128xf32>
      %div3A_49 = arith.divf %get3A_46, %div3A_48 : vector<128xf32>
      %mul3A = arith.mulf %div3A_42, %div3A_42 : vector<128xf32>
      %sub3A = arith.subf %div3A_49, %mul3A : vector<128xf32>
      %swap3A_50 = arith.constant 0 : index
      %swap3A_51 = arith.constant 0 : index
      %swap3A_52 = vector.load %arg3[%swap3A_50, %swap3A_51] : memref<2x128xf32, #tpu.memory_space<vmem>>, vector<1x128xf32>
      %swap3A_53 = vector.shape_cast %swap3A_52 : vector<1x128xf32> to vector<128xf32>
      %swap3A_54 = vector.shape_cast %div3A_42 : vector<128xf32> to vector<1x128xf32>
      tpu.vector_store %arg3[%swap3A_50, %swap3A_51], %swap3A_54 {strides = array<i32>} : memref<2x128xf32, #tpu.memory_space<vmem>>, vector<1x128xf32>,
      %add3A_55 = arith.constant 9.99999974E-6 : f32
      %add3A_56 = vector.broadcast %add3A_55 : f32 to vector<128xf32>
      %add3A_57 = arith.addf %sub3A, %add3A_56 : vector<128xf32>
      %sqrt3A = math.sqrt %add3A_57 : vector<128xf32>
      %swap3A_58 = arith.constant 1 : index
      %swap3A_59 = arith.constant 0 : index
      %swap3A_60 = vector.load %arg3[%swap3A_58, %swap3A_59] : memref<2x128xf32, #tpu.memory_space<vmem>>, vector<1x128xf32>
      %swap3A_61 = vector.shape_cast %swap3A_60 : vector<1x128xf32> to vector<128xf32>
      %swap3A_62 = vector.shape_cast %sqrt3A : vector<128xf32> to vector<1x128xf32>
      tpu.vector_store %arg3[%swap3A_58, %swap3A_59], %swap3A_62 {strides = array<i32>} : memref<2x128xf32, #tpu.memory_space<vmem>>, vector<1x128xf32>,
    } else {
    }
    return
  }
  func.func @transform_0(%arg0: i32) -> (i32, i32, i32) {
    %c0_i32 = arith.constant 0 : i32
    %c0_i32_0 = arith.constant 0 : i32
    %c0_i32_1 = arith.constant 0 : i32
    return %arg0, %c0_i32, %c0_i32_0 : i32, i32, i32
  }
  func.func @transform_1(%arg0: i32) -> (i32, i32, i32) {
    %c0_i32 = arith.constant 0 : i32
    %c0_i32_0 = arith.constant 0 : i32
    %c0_i32_1 = arith.constant 0 : i32
    return %arg0, %c0_i32, %c0_i32_0 : i32, i32, i32
  }
  func.func @transform_2(%arg0: i32) -> (i32, i32) {
    %c0_i32 = arith.constant 0 : i32
    %c0_i32_0 = arith.constant 0 : i32
    %c0_i32_1 = arith.constant 0 : i32
    return %c0_i32, %c0_i32_0 : i32, i32
  }
}

module attributes {stable_mosaic.version = 14 : i64} {
  func.func @_apply_body(%arg0: i32, %arg1: memref<1x2048x128xf32, #tpu.memory_space<vmem>>, %arg2: memref<2x128xf32, #tpu.memory_space<vmem>>, %arg3: memref<1x128xf32, #tpu.memory_space<vmem>>, %arg4: memref<1x128xf32, #tpu.memory_space<vmem>>, %arg5: memref<1x2048x128xf32, #tpu.memory_space<vmem>>) attributes {dimension_semantics = [#tpu.dimension_semantics<arbitrary>], iteration_bounds = array<i64: 4>, scalar_prefetch = 0 : i64, scratch_operands = 0 : i64, tpu.core_type = #tpu.core_type<tc>, window_params = [{transform_indices = @transform_0, window_bounds = array<i64: 1, 2048, 128>}, {pipeline_mode = #tpu.pipeline_mode<synchronous>, transform_indices = @transform_1, window_bounds = array<i64: 2, 128>}, {pipeline_mode = #tpu.pipeline_mode<synchronous>, transform_indices = @transform_2, window_bounds = array<i64: 1, 128>}, {pipeline_mode = #tpu.pipeline_mode<synchronous>, transform_indices = @transform_3, window_bounds = array<i64: 1, 128>}, {transform_indices = @transform_4, window_bounds = array<i64: 1, 2048, 128>}]} {
    %get3A = arith.constant 0 : index
    %get3A_0 = arith.constant 0 : index
    %get3A_1 = arith.constant 0 : index
    %get3A_2 = vector.load %arg1[%get3A, %get3A_0, %get3A_1] : memref<1x2048x128xf32, #tpu.memory_space<vmem>>, vector<1x2048x128xf32>
    %get3A_3 = vector.shape_cast %get3A_2 : vector<1x2048x128xf32> to vector<2048x128xf32>
    %get3A_4 = arith.constant 0 : index
    %get3A_5 = arith.constant 0 : index
    %get3A_6 = vector.load %arg2[%get3A_4, %get3A_5] : memref<2x128xf32, #tpu.memory_space<vmem>>, vector<1x128xf32>
    %get3A_7 = vector.shape_cast %get3A_6 : vector<1x128xf32> to vector<128xf32>
    %broadcast_in_dim3A = vector.shape_cast %get3A_7 : vector<128xf32> to vector<1x128xf32>
    %sub3A = vector.broadcast %broadcast_in_dim3A : vector<1x128xf32> to vector<2048x128xf32>
    %sub3A_8 = arith.subf %get3A_3, %sub3A : vector<2048x128xf32>
    %get3A_9 = arith.constant 1 : index
    %get3A_10 = arith.constant 0 : index
    %get3A_11 = vector.load %arg2[%get3A_9, %get3A_10] : memref<2x128xf32, #tpu.memory_space<vmem>>, vector<1x128xf32>
    %get3A_12 = vector.shape_cast %get3A_11 : vector<1x128xf32> to vector<128xf32>
    %broadcast_in_dim3A_13 = vector.shape_cast %get3A_12 : vector<128xf32> to vector<1x128xf32>
    %div3A = vector.broadcast %broadcast_in_dim3A_13 : vector<1x128xf32> to vector<2048x128xf32>
    %div3A_14 = arith.divf %sub3A_8, %div3A : vector<2048x128xf32>
    %get3A_15 = arith.constant 0 : index
    %get3A_16 = arith.constant 0 : index
    %get3A_17 = vector.load %arg3[%get3A_15, %get3A_16] : memref<1x128xf32, #tpu.memory_space<vmem>>, vector<1x128xf32>
    %mul3A = vector.broadcast %get3A_17 : vector<1x128xf32> to vector<2048x128xf32>
    %mul3A_18 = arith.mulf %div3A_14, %mul3A : vector<2048x128xf32>
    %get3A_19 = arith.constant 0 : index
    %get3A_20 = arith.constant 0 : index
    %get3A_21 = vector.load %arg4[%get3A_19, %get3A_20] : memref<1x128xf32, #tpu.memory_space<vmem>>, vector<1x128xf32>
    %add3A = vector.broadcast %get3A_21 : vector<1x128xf32> to vector<2048x128xf32>
    %add3A_22 = arith.addf %mul3A_18, %add3A : vector<2048x128xf32>
    %ge3A = arith.constant 0.000000e+00 : f32
    %ge3A_23 = vector.broadcast %ge3A : f32 to vector<2048x128xf32>
    %ge3A_24 = arith.cmpf oge, %add3A_22, %ge3A_23 : vector<2048x128xf32>
    %mul3A_25 = arith.constant 2.000000e-01 : f32
    %mul3A_26 = vector.broadcast %mul3A_25 : f32 to vector<2048x128xf32>
    %mul3A_27 = arith.mulf %mul3A_26, %add3A_22 : vector<2048x128xf32>
    %select_n3A = arith.select %ge3A_24, %add3A_22, %mul3A_27 : vector<2048x128xi1>, vector<2048x128xf32>
    %swap3A = arith.constant 0 : index
    %swap3A_28 = arith.constant 0 : index
    %swap3A_29 = arith.constant 0 : index
    %swap3A_30 = vector.load %arg5[%swap3A, %swap3A_28, %swap3A_29] : memref<1x2048x128xf32, #tpu.memory_space<vmem>>, vector<1x2048x128xf32>
    %swap3A_31 = vector.shape_cast %swap3A_30 : vector<1x2048x128xf32> to vector<2048x128xf32>
    %swap3A_32 = vector.shape_cast %select_n3A : vector<2048x128xf32> to vector<1x2048x128xf32>
    tpu.vector_store %arg5[%swap3A, %swap3A_28, %swap3A_29], %swap3A_32 {strides = array<i32>} : memref<1x2048x128xf32, #tpu.memory_space<vmem>>, vector<1x2048x128xf32>,
    return
  }
  func.func @transform_0(%arg0: i32) -> (i32, i32, i32) {
    %c0_i32 = arith.constant 0 : i32
    %c0_i32_0 = arith.constant 0 : i32
    %c0_i32_1 = arith.constant 0 : i32
    return %arg0, %c0_i32, %c0_i32_0 : i32, i32, i32
  }
  func.func @transform_1(%arg0: i32) -> (i32, i32) {
    %c0_i32 = arith.constant 0 : i32
    %c0_i32_0 = arith.constant 0 : i32
    %c0_i32_1 = arith.constant 0 : i32
    return %c0_i32, %c0_i32_0 : i32, i32
  }
  func.func @transform_2(%arg0: i32) -> (i32, i32) {
    %c0_i32 = arith.constant 0 : i32
    %c0_i32_0 = arith.constant 0 : i32
    %c0_i32_1 = arith.constant 0 : i32
    return %c0_i32, %c0_i32_0 : i32, i32
  }
  func.func @transform_3(%arg0: i32) -> (i32, i32) {
    %c0_i32 = arith.constant 0 : i32
    %c0_i32_0 = arith.constant 0 : i32
    %c0_i32_1 = arith.constant 0 : i32
    return %c0_i32, %c0_i32_0 : i32, i32
  }
  func.func @transform_4(%arg0: i32) -> (i32, i32, i32) {
    %c0_i32 = arith.constant 0 : i32
    %c0_i32_0 = arith.constant 0 : i32
    %c0_i32_1 = arith.constant 0 : i32
    return %arg0, %c0_i32, %c0_i32_0 : i32, i32, i32
  }
}

module attributes {stable_mosaic.version = 14 : i64} {
  func.func @_feat_body(%arg0: i32, %arg1: memref<1x2048x128xf32, #tpu.memory_space<vmem>>, %arg2: memref<128x256xf32, #tpu.memory_space<vmem>>, %arg3: memref<1x2048x256xf32, #tpu.memory_space<vmem>>) attributes {dimension_semantics = [#tpu.dimension_semantics<arbitrary>], iteration_bounds = array<i64: 4>, scalar_prefetch = 0 : i64, scratch_operands = 0 : i64, tpu.core_type = #tpu.core_type<tc>, window_params = [{transform_indices = @transform_0, window_bounds = array<i64: 1, 2048, 128>}, {pipeline_mode = #tpu.pipeline_mode<synchronous>, transform_indices = @transform_1, window_bounds = array<i64: 128, 256>}, {transform_indices = @transform_2, window_bounds = array<i64: 1, 2048, 256>}]} {
    %get3A = arith.constant 0 : index
    %get3A_0 = arith.constant 0 : index
    %get3A_1 = arith.constant 0 : index
    %get3A_2 = vector.load %arg1[%get3A, %get3A_0, %get3A_1] : memref<1x2048x128xf32, #tpu.memory_space<vmem>>, vector<1x2048x128xf32>
    %get3A_3 = vector.shape_cast %get3A_2 : vector<1x2048x128xf32> to vector<2048x128xf32>
    %convert_element_type3A = arith.truncf %get3A_3 : vector<2048x128xf32> to vector<2048x128xbf16>
    %get3A_4 = arith.constant 0 : index
    %get3A_5 = arith.constant 0 : index
    %get3A_6 = vector.load %arg2[%get3A_4, %get3A_5] : memref<128x256xf32, #tpu.memory_space<vmem>>, vector<128x256xf32>
    %convert_element_type3A_7 = arith.truncf %get3A_6 : vector<128x256xf32> to vector<128x256xbf16>
    %dot_general3A = arith.constant dense<0.000000e+00> : vector<2048x256xf32>
    %dot_general3A_8 = tpu.matmul %convert_element_type3A, %convert_element_type3A_7, %dot_general3A {dimension_numbers = #tpu.dot_dimension_numbers<[1], [0], [0], [1], [0, 0, 1, 1], [], []>, transpose_lhs_hint = false} : vector<2048x128xbf16>, vector<128x256xbf16>, vector<2048x256xf32> -> vector<2048x256xf32>
    %swap3A = arith.constant 0 : index
    %swap3A_9 = arith.constant 0 : index
    %swap3A_10 = arith.constant 0 : index
    %swap3A_11 = vector.load %arg3[%swap3A, %swap3A_9, %swap3A_10] : memref<1x2048x256xf32, #tpu.memory_space<vmem>>, vector<1x2048x256xf32>
    %swap3A_12 = vector.shape_cast %swap3A_11 : vector<1x2048x256xf32> to vector<2048x256xf32>
    %swap3A_13 = vector.shape_cast %dot_general3A_8 : vector<2048x256xf32> to vector<1x2048x256xf32>
    tpu.vector_store %arg3[%swap3A, %swap3A_9, %swap3A_10], %swap3A_13 {strides = array<i32>} : memref<1x2048x256xf32, #tpu.memory_space<vmem>>, vector<1x2048x256xf32>,
    return
  }
  func.func @transform_0(%arg0: i32) -> (i32, i32, i32) {
    %c0_i32 = arith.constant 0 : i32
    %c0_i32_0 = arith.constant 0 : i32
    %c0_i32_1 = arith.constant 0 : i32
    return %arg0, %c0_i32, %c0_i32_0 : i32, i32, i32
  }
  func.func @transform_1(%arg0: i32) -> (i32, i32) {
    %c0_i32 = arith.constant 0 : i32
    %c0_i32_0 = arith.constant 0 : i32
    %c0_i32_1 = arith.constant 0 : i32
    return %c0_i32, %c0_i32_0 : i32, i32
  }
  func.func @transform_2(%arg0: i32) -> (i32, i32, i32) {
    %c0_i32 = arith.constant 0 : i32
    %c0_i32_0 = arith.constant 0 : i32
    %c0_i32_1 = arith.constant 0 : i32
    return %arg0, %c0_i32, %c0_i32_0 : i32, i32, i32
  }
}

module attributes {stable_mosaic.version = 14 : i64} {
  func.func @_edge_body(%arg0: i32, %arg1: i32, %arg2: memref<1x4096x128xf32, #tpu.memory_space<vmem>>, %arg3: memref<1x256x128xf32, #tpu.memory_space<vmem>>, %arg4: memref<1x256x256xf32, #tpu.memory_space<vmem>>, %arg5: memref<128x256xf32, #tpu.memory_space<vmem>>, %arg6: memref<1x256xf32, #tpu.memory_space<vmem>>, %arg7: memref<1x256x256xf32, #tpu.memory_space<vmem>>, %arg8: memref<1x256x256xf32, #tpu.memory_space<vmem>>, %arg9: memref<1x256x256xf32, #tpu.memory_space<vmem>>) attributes {dimension_semantics = [#tpu.dimension_semantics<arbitrary>, #tpu.dimension_semantics<arbitrary>], iteration_bounds = array<i64: 4, 8>, scalar_prefetch = 0 : i64, scratch_operands = 0 : i64, tpu.core_type = #tpu.core_type<tc>, window_params = [{transform_indices = @transform_0, window_bounds = array<i64: 1, 4096, 128>}, {transform_indices = @transform_1, window_bounds = array<i64: 1, 256, 128>}, {transform_indices = @transform_2, window_bounds = array<i64: 1, 256, 256>}, {pipeline_mode = #tpu.pipeline_mode<synchronous>, transform_indices = @transform_3, window_bounds = array<i64: 128, 256>}, {pipeline_mode = #tpu.pipeline_mode<synchronous>, transform_indices = @transform_4, window_bounds = array<i64: 1, 256>}, {transform_indices = @transform_5, window_bounds = array<i64: 1, 256, 256>}, {transform_indices = @transform_6, window_bounds = array<i64: 1, 256, 256>}, {transform_indices = @transform_7, window_bounds = array<i64: 1, 256, 256>}]} {
    %get3A = arith.constant 0 : index
    %get3A_0 = arith.constant 0 : index
    %get3A_1 = arith.constant 0 : index
    %get3A_2 = vector.load %arg2[%get3A, %get3A_0, %get3A_1] : memref<1x4096x128xf32, #tpu.memory_space<vmem>>, vector<1x4096x128xf32>
    %get3A_3 = vector.shape_cast %get3A_2 : vector<1x4096x128xf32> to vector<4096x128xf32>
    %get3A_4 = arith.constant 0 : index
    %get3A_5 = arith.constant 0 : index
    %get3A_6 = arith.constant 0 : index
    %get3A_7 = vector.load %arg3[%get3A_4, %get3A_5, %get3A_6] : memref<1x256x128xf32, #tpu.memory_space<vmem>>, vector<1x256x128xf32>
    %get3A_8 = vector.shape_cast %get3A_7 : vector<1x256x128xf32> to vector<256x128xf32>
    %reshape3A = vector.shape_cast %get3A_3 : vector<4096x128xf32> to vector<256x16x128xf32>
    %broadcast_in_dim3A = vector.shape_cast %get3A_8 : vector<256x128xf32> to vector<256x1x128xf32>
    %sub3A = vector.broadcast %broadcast_in_dim3A : vector<256x1x128xf32> to vector<256x16x128xf32>
    %sub3A_9 = arith.subf %reshape3A, %sub3A : vector<256x16x128xf32>
    %convert_element_type3A = arith.truncf %sub3A_9 : vector<256x16x128xf32> to vector<256x16x128xbf16>
    %get3A_10 = arith.constant 0 : index
    %get3A_11 = arith.constant 0 : index
    %get3A_12 = vector.load %arg5[%get3A_10, %get3A_11] : memref<128x256xf32, #tpu.memory_space<vmem>>, vector<128x256xf32>
    %convert_element_type3A_13 = arith.truncf %get3A_12 : vector<128x256xf32> to vector<128x256xbf16>
    %reshape3A_14 = vector.shape_cast %convert_element_type3A : vector<256x16x128xbf16> to vector<4096x128xbf16>
    %dot_general3A = arith.constant dense<0.000000e+00> : vector<4096x256xf32>
    %dot_general3A_15 = tpu.matmul %reshape3A_14, %convert_element_type3A_13, %dot_general3A {dimension_numbers = #tpu.dot_dimension_numbers<[1], [0], [0], [1], [0, 0, 1, 1], [], []>, transpose_lhs_hint = false} : vector<4096x128xbf16>, vector<128x256xbf16>, vector<4096x256xf32> -> vector<4096x256xf32>
    %get3A_16 = arith.constant 0 : index
    %get3A_17 = arith.constant 0 : index
    %get3A_18 = arith.constant 0 : index
    %get3A_19 = vector.load %arg4[%get3A_16, %get3A_17, %get3A_18] : memref<1x256x256xf32, #tpu.memory_space<vmem>>, vector<1x256x256xf32>
    %get3A_20 = vector.shape_cast %get3A_19 : vector<1x256x256xf32> to vector<256x256xf32>
    %broadcast_in_dim3A_21 = vector.shape_cast %get3A_20 : vector<256x256xf32> to vector<256x1x256xf32>
    %reshape3A_22 = vector.shape_cast %dot_general3A_15 : vector<4096x256xf32> to vector<256x16x256xf32>
    %add3A = vector.broadcast %broadcast_in_dim3A_21 : vector<256x1x256xf32> to vector<256x16x256xf32>
    %add3A_23 = arith.addf %add3A, %reshape3A_22 : vector<256x16x256xf32>
    %get3A_24 = arith.constant 0 : index
    %get3A_25 = arith.constant 0 : index
    %get3A_26 = vector.load %arg6[%get3A_24, %get3A_25] : memref<1x256xf32, #tpu.memory_space<vmem>>, vector<1x256xf32>
    %broadcast_in_dim3A_27 = vector.shape_cast %get3A_26 : vector<1x256xf32> to vector<1x1x256xf32>
    %add3A_28 = vector.broadcast %broadcast_in_dim3A_27 : vector<1x1x256xf32> to vector<256x16x256xf32>
    %add3A_29 = arith.addf %add3A_23, %add3A_28 : vector<256x16x256xf32>
    %reduce_max3A = arith.constant dense<0xFF800000> : vector<256x256xf32>
    %reduce_max3A_30 = vector.multi_reduction <maximumf>, %add3A_29, %reduce_max3A [1] : vector<256x16x256xf32> to vector<256x256xf32>
    %swap3A = arith.constant 0 : index
    %swap3A_31 = arith.constant 0 : index
    %swap3A_32 = arith.constant 0 : index
    %swap3A_33 = vector.load %arg7[%swap3A, %swap3A_31, %swap3A_32] : memref<1x256x256xf32, #tpu.memory_space<vmem>>, vector<1x256x256xf32>
    %swap3A_34 = vector.shape_cast %swap3A_33 : vector<1x256x256xf32> to vector<256x256xf32>
    %swap3A_35 = vector.shape_cast %reduce_max3A_30 : vector<256x256xf32> to vector<1x256x256xf32>
    tpu.vector_store %arg7[%swap3A, %swap3A_31, %swap3A_32], %swap3A_35 {strides = array<i32>} : memref<1x256x256xf32, #tpu.memory_space<vmem>>, vector<1x256x256xf32>,
    %reduce_sum3A = arith.constant dense<0.000000e+00> : vector<256x256xf32>
    %reduce_sum3A_36 = vector.multi_reduction <add>, %add3A_29, %reduce_sum3A [1] : vector<256x16x256xf32> to vector<256x256xf32>
    %swap3A_37 = arith.constant 0 : index
    %swap3A_38 = arith.constant 0 : index
    %swap3A_39 = arith.constant 0 : index
    %swap3A_40 = vector.load %arg8[%swap3A_37, %swap3A_38, %swap3A_39] : memref<1x256x256xf32, #tpu.memory_space<vmem>>, vector<1x256x256xf32>
    %swap3A_41 = vector.shape_cast %swap3A_40 : vector<1x256x256xf32> to vector<256x256xf32>
    %swap3A_42 = vector.shape_cast %reduce_sum3A_36 : vector<256x256xf32> to vector<1x256x256xf32>
    tpu.vector_store %arg8[%swap3A_37, %swap3A_38, %swap3A_39], %swap3A_42 {strides = array<i32>} : memref<1x256x256xf32, #tpu.memory_space<vmem>>, vector<1x256x256xf32>,
    %mul3A = arith.mulf %add3A_29, %add3A_29 : vector<256x16x256xf32>
    %reduce_sum3A_43 = arith.constant dense<0.000000e+00> : vector<256x256xf32>
    %reduce_sum3A_44 = vector.multi_reduction <add>, %mul3A, %reduce_sum3A_43 [1] : vector<256x16x256xf32> to vector<256x256xf32>
    %swap3A_45 = arith.constant 0 : index
    %swap3A_46 = arith.constant 0 : index
    %swap3A_47 = arith.constant 0 : index
    %swap3A_48 = vector.load %arg9[%swap3A_45, %swap3A_46, %swap3A_47] : memref<1x256x256xf32, #tpu.memory_space<vmem>>, vector<1x256x256xf32>
    %swap3A_49 = vector.shape_cast %swap3A_48 : vector<1x256x256xf32> to vector<256x256xf32>
    %swap3A_50 = vector.shape_cast %reduce_sum3A_44 : vector<256x256xf32> to vector<1x256x256xf32>
    tpu.vector_store %arg9[%swap3A_45, %swap3A_46, %swap3A_47], %swap3A_50 {strides = array<i32>} : memref<1x256x256xf32, #tpu.memory_space<vmem>>, vector<1x256x256xf32>,
    return
  }
  func.func @transform_0(%arg0: i32, %arg1: i32) -> (i32, i32, i32) {
    %c0_i32 = arith.constant 0 : i32
    %c0_i32_0 = arith.constant 0 : i32
    return %arg0, %arg1, %c0_i32 : i32, i32, i32
  }
  func.func @transform_1(%arg0: i32, %arg1: i32) -> (i32, i32, i32) {
    %c0_i32 = arith.constant 0 : i32
    %c0_i32_0 = arith.constant 0 : i32
    return %arg0, %arg1, %c0_i32 : i32, i32, i32
  }
  func.func @transform_2(%arg0: i32, %arg1: i32) -> (i32, i32, i32) {
    %c0_i32 = arith.constant 0 : i32
    %c0_i32_0 = arith.constant 0 : i32
    return %arg0, %arg1, %c0_i32 : i32, i32, i32
  }
  func.func @transform_3(%arg0: i32, %arg1: i32) -> (i32, i32) {
    %c0_i32 = arith.constant 0 : i32
    %c0_i32_0 = arith.constant 0 : i32
    %c0_i32_1 = arith.constant 0 : i32
    return %c0_i32, %c0_i32_0 : i32, i32
  }
  func.func @transform_4(%arg0: i32, %arg1: i32) -> (i32, i32) {
    %c0_i32 = arith.constant 0 : i32
    %c0_i32_0 = arith.constant 0 : i32
    %c0_i32_1 = arith.constant 0 : i32
    return %c0_i32, %c0_i32_0 : i32, i32
  }
  func.func @transform_5(%arg0: i32, %arg1: i32) -> (i32, i32, i32) {
    %c0_i32 = arith.constant 0 : i32
    %c0_i32_0 = arith.constant 0 : i32
    return %arg0, %arg1, %c0_i32 : i32, i32, i32
  }
  func.func @transform_6(%arg0: i32, %arg1: i32) -> (i32, i32, i32) {
    %c0_i32 = arith.constant 0 : i32
    %c0_i32_0 = arith.constant 0 : i32
    return %arg0, %arg1, %c0_i32 : i32, i32, i32
  }
  func.func @transform_7(%arg0: i32, %arg1: i32) -> (i32, i32, i32) {
    %c0_i32 = arith.constant 0 : i32
    %c0_i32_0 = arith.constant 0 : i32
    return %arg0, %arg1, %c0_i32 : i32, i32, i32
  }
}

module attributes {stable_mosaic.version = 14 : i64} {
  func.func @_stats_body(%arg0: i32, %arg1: memref<1x2048x256xf32, #tpu.memory_space<vmem>>, %arg2: memref<1x2048x256xf32, #tpu.memory_space<vmem>>, %arg3: memref<2x256xf32, #tpu.memory_space<vmem>>, %arg4: memref<2x256xf32, #tpu.memory_space<vmem>>) attributes {dimension_semantics = [#tpu.dimension_semantics<arbitrary>], iteration_bounds = array<i64: 4>, scalar_prefetch = 0 : i64, scratch_operands = 1 : i64, tpu.core_type = #tpu.core_type<tc>, window_params = [{transform_indices = @transform_0, window_bounds = array<i64: 1, 2048, 256>}, {transform_indices = @transform_1, window_bounds = array<i64: 1, 2048, 256>}, {pipeline_mode = #tpu.pipeline_mode<synchronous>, transform_indices = @transform_2, window_bounds = array<i64: 2, 256>}]} {
    %eq3A = arith.constant 0 : i32
    %eq3A_0 = arith.cmpi eq, %arg0, %eq3A : i32
    %convert_element_type3A = arith.extui %eq3A_0 : i1 to i32
    %cond3A = arith.constant 0 : i32
    %cond3A_1 = arith.cmpi ne, %convert_element_type3A, %cond3A : i32
    scf.if %cond3A_1 {
      %broadcast_in_dim3A = arith.constant 0.000000e+00 : f32
      %broadcast_in_dim3A_37 = vector.broadcast %broadcast_in_dim3A : f32 to vector<2x256xf32>
      %swap3A_38 = arith.constant 0 : index
      %swap3A_39 = arith.constant 0 : index
      %swap3A_40 = vector.load %arg4[%swap3A_38, %swap3A_39] : memref<2x256xf32, #tpu.memory_space<vmem>>, vector<2x256xf32>
      tpu.vector_store %arg4[%swap3A_38, %swap3A_39], %broadcast_in_dim3A_37 {strides = array<i32>} : memref<2x256xf32, #tpu.memory_space<vmem>>, vector<2x256xf32>,
    } else {
    }
    %get3A = arith.constant 0 : index
    %get3A_2 = arith.constant 0 : index
    %get3A_3 = vector.load %arg4[%get3A, %get3A_2] : memref<2x256xf32, #tpu.memory_space<vmem>>, vector<1x256xf32>
    %get3A_4 = vector.shape_cast %get3A_3 : vector<1x256xf32> to vector<256xf32>
    %get3A_5 = arith.constant 0 : index
    %get3A_6 = arith.constant 0 : index
    %get3A_7 = arith.constant 0 : index
    %get3A_8 = vector.load %arg1[%get3A_5, %get3A_6, %get3A_7] : memref<1x2048x256xf32, #tpu.memory_space<vmem>>, vector<1x2048x256xf32>
    %get3A_9 = vector.shape_cast %get3A_8 : vector<1x2048x256xf32> to vector<2048x256xf32>
    %reduce_sum3A = arith.constant dense<0.000000e+00> : vector<256xf32>
    %reduce_sum3A_10 = vector.multi_reduction <add>, %get3A_9, %reduce_sum3A [0] : vector<2048x256xf32> to vector<256xf32>
    %add3A = arith.addf %get3A_4, %reduce_sum3A_10 : vector<256xf32>
    %swap3A = arith.constant 0 : index
    %swap3A_11 = arith.constant 0 : index
    %swap3A_12 = vector.load %arg4[%swap3A, %swap3A_11] : memref<2x256xf32, #tpu.memory_space<vmem>>, vector<1x256xf32>
    %swap3A_13 = vector.shape_cast %swap3A_12 : vector<1x256xf32> to vector<256xf32>
    %swap3A_14 = vector.shape_cast %add3A : vector<256xf32> to vector<1x256xf32>
    tpu.vector_store %arg4[%swap3A, %swap3A_11], %swap3A_14 {strides = array<i32>} : memref<2x256xf32, #tpu.memory_space<vmem>>, vector<1x256xf32>,
    %get3A_15 = arith.constant 1 : index
    %get3A_16 = arith.constant 0 : index
    %get3A_17 = vector.load %arg4[%get3A_15, %get3A_16] : memref<2x256xf32, #tpu.memory_space<vmem>>, vector<1x256xf32>
    %get3A_18 = vector.shape_cast %get3A_17 : vector<1x256xf32> to vector<256xf32>
    %get3A_19 = arith.constant 0 : index
    %get3A_20 = arith.constant 0 : index
    %get3A_21 = arith.constant 0 : index
    %get3A_22 = vector.load %arg2[%get3A_19, %get3A_20, %get3A_21] : memref<1x2048x256xf32, #tpu.memory_space<vmem>>, vector<1x2048x256xf32>
    %get3A_23 = vector.shape_cast %get3A_22 : vector<1x2048x256xf32> to vector<2048x256xf32>
    %reduce_sum3A_24 = arith.constant dense<0.000000e+00> : vector<256xf32>
    %reduce_sum3A_25 = vector.multi_reduction <add>, %get3A_23, %reduce_sum3A_24 [0] : vector<2048x256xf32> to vector<256xf32>
    %add3A_26 = arith.addf %get3A_18, %reduce_sum3A_25 : vector<256xf32>
    %swap3A_27 = arith.constant 1 : index
    %swap3A_28 = arith.constant 0 : index
    %swap3A_29 = vector.load %arg4[%swap3A_27, %swap3A_28] : memref<2x256xf32, #tpu.memory_space<vmem>>, vector<1x256xf32>
    %swap3A_30 = vector.shape_cast %swap3A_29 : vector<1x256xf32> to vector<256xf32>
    %swap3A_31 = vector.shape_cast %add3A_26 : vector<256xf32> to vector<1x256xf32>
    tpu.vector_store %arg4[%swap3A_27, %swap3A_28], %swap3A_31 {strides = array<i32>} : memref<2x256xf32, #tpu.memory_space<vmem>>, vector<1x256xf32>,
    %eq3A_32 = arith.constant 3 : i32
    %eq3A_33 = arith.cmpi eq, %arg0, %eq3A_32 : i32
    %convert_element_type3A_34 = arith.extui %eq3A_33 : i1 to i32
    %cond3A_35 = arith.constant 0 : i32
    %cond3A_36 = arith.cmpi ne, %convert_element_type3A_34, %cond3A_35 : i32
    scf.if %cond3A_36 {
      %get3A_37 = arith.constant 0 : index
      %get3A_38 = arith.constant 0 : index
      %get3A_39 = vector.load %arg4[%get3A_37, %get3A_38] : memref<2x256xf32, #tpu.memory_space<vmem>>, vector<1x256xf32>
      %get3A_40 = vector.shape_cast %get3A_39 : vector<1x256xf32> to vector<256xf32>
      %div3A = arith.constant 1.310720e+05 : f32
      %div3A_41 = vector.broadcast %div3A : f32 to vector<256xf32>
      %div3A_42 = arith.divf %get3A_40, %div3A_41 : vector<256xf32>
      %get3A_43 = arith.constant 1 : index
      %get3A_44 = arith.constant 0 : index
      %get3A_45 = vector.load %arg4[%get3A_43, %get3A_44] : memref<2x256xf32, #tpu.memory_space<vmem>>, vector<1x256xf32>
      %get3A_46 = vector.shape_cast %get3A_45 : vector<1x256xf32> to vector<256xf32>
      %div3A_47 = arith.constant 1.310720e+05 : f32
      %div3A_48 = vector.broadcast %div3A_47 : f32 to vector<256xf32>
      %div3A_49 = arith.divf %get3A_46, %div3A_48 : vector<256xf32>
      %mul3A = arith.mulf %div3A_42, %div3A_42 : vector<256xf32>
      %sub3A = arith.subf %div3A_49, %mul3A : vector<256xf32>
      %swap3A_50 = arith.constant 0 : index
      %swap3A_51 = arith.constant 0 : index
      %swap3A_52 = vector.load %arg3[%swap3A_50, %swap3A_51] : memref<2x256xf32, #tpu.memory_space<vmem>>, vector<1x256xf32>
      %swap3A_53 = vector.shape_cast %swap3A_52 : vector<1x256xf32> to vector<256xf32>
      %swap3A_54 = vector.shape_cast %div3A_42 : vector<256xf32> to vector<1x256xf32>
      tpu.vector_store %arg3[%swap3A_50, %swap3A_51], %swap3A_54 {strides = array<i32>} : memref<2x256xf32, #tpu.memory_space<vmem>>, vector<1x256xf32>,
      %add3A_55 = arith.constant 9.99999974E-6 : f32
      %add3A_56 = vector.broadcast %add3A_55 : f32 to vector<256xf32>
      %add3A_57 = arith.addf %sub3A, %add3A_56 : vector<256xf32>
      %sqrt3A = math.sqrt %add3A_57 : vector<256xf32>
      %swap3A_58 = arith.constant 1 : index
      %swap3A_59 = arith.constant 0 : index
      %swap3A_60 = vector.load %arg3[%swap3A_58, %swap3A_59] : memref<2x256xf32, #tpu.memory_space<vmem>>, vector<1x256xf32>
      %swap3A_61 = vector.shape_cast %swap3A_60 : vector<1x256xf32> to vector<256xf32>
      %swap3A_62 = vector.shape_cast %sqrt3A : vector<256xf32> to vector<1x256xf32>
      tpu.vector_store %arg3[%swap3A_58, %swap3A_59], %swap3A_62 {strides = array<i32>} : memref<2x256xf32, #tpu.memory_space<vmem>>, vector<1x256xf32>,
    } else {
    }
    return
  }
  func.func @transform_0(%arg0: i32) -> (i32, i32, i32) {
    %c0_i32 = arith.constant 0 : i32
    %c0_i32_0 = arith.constant 0 : i32
    %c0_i32_1 = arith.constant 0 : i32
    return %arg0, %c0_i32, %c0_i32_0 : i32, i32, i32
  }
  func.func @transform_1(%arg0: i32) -> (i32, i32, i32) {
    %c0_i32 = arith.constant 0 : i32
    %c0_i32_0 = arith.constant 0 : i32
    %c0_i32_1 = arith.constant 0 : i32
    return %arg0, %c0_i32, %c0_i32_0 : i32, i32, i32
  }
  func.func @transform_2(%arg0: i32) -> (i32, i32) {
    %c0_i32 = arith.constant 0 : i32
    %c0_i32_0 = arith.constant 0 : i32
    %c0_i32_1 = arith.constant 0 : i32
    return %c0_i32, %c0_i32_0 : i32, i32
  }
}

module attributes {stable_mosaic.version = 14 : i64} {
  func.func @_apply_body(%arg0: i32, %arg1: memref<1x2048x256xf32, #tpu.memory_space<vmem>>, %arg2: memref<2x256xf32, #tpu.memory_space<vmem>>, %arg3: memref<1x256xf32, #tpu.memory_space<vmem>>, %arg4: memref<1x256xf32, #tpu.memory_space<vmem>>, %arg5: memref<1x2048x256xf32, #tpu.memory_space<vmem>>) attributes {dimension_semantics = [#tpu.dimension_semantics<arbitrary>], iteration_bounds = array<i64: 4>, scalar_prefetch = 0 : i64, scratch_operands = 0 : i64, tpu.core_type = #tpu.core_type<tc>, window_params = [{transform_indices = @transform_0, window_bounds = array<i64: 1, 2048, 256>}, {pipeline_mode = #tpu.pipeline_mode<synchronous>, transform_indices = @transform_1, window_bounds = array<i64: 2, 256>}, {pipeline_mode = #tpu.pipeline_mode<synchronous>, transform_indices = @transform_2, window_bounds = array<i64: 1, 256>}, {pipeline_mode = #tpu.pipeline_mode<synchronous>, transform_indices = @transform_3, window_bounds = array<i64: 1, 256>}, {transform_indices = @transform_4, window_bounds = array<i64: 1, 2048, 256>}]} {
    %get3A = arith.constant 0 : index
    %get3A_0 = arith.constant 0 : index
    %get3A_1 = arith.constant 0 : index
    %get3A_2 = vector.load %arg1[%get3A, %get3A_0, %get3A_1] : memref<1x2048x256xf32, #tpu.memory_space<vmem>>, vector<1x2048x256xf32>
    %get3A_3 = vector.shape_cast %get3A_2 : vector<1x2048x256xf32> to vector<2048x256xf32>
    %get3A_4 = arith.constant 0 : index
    %get3A_5 = arith.constant 0 : index
    %get3A_6 = vector.load %arg2[%get3A_4, %get3A_5] : memref<2x256xf32, #tpu.memory_space<vmem>>, vector<1x256xf32>
    %get3A_7 = vector.shape_cast %get3A_6 : vector<1x256xf32> to vector<256xf32>
    %broadcast_in_dim3A = vector.shape_cast %get3A_7 : vector<256xf32> to vector<1x256xf32>
    %sub3A = vector.broadcast %broadcast_in_dim3A : vector<1x256xf32> to vector<2048x256xf32>
    %sub3A_8 = arith.subf %get3A_3, %sub3A : vector<2048x256xf32>
    %get3A_9 = arith.constant 1 : index
    %get3A_10 = arith.constant 0 : index
    %get3A_11 = vector.load %arg2[%get3A_9, %get3A_10] : memref<2x256xf32, #tpu.memory_space<vmem>>, vector<1x256xf32>
    %get3A_12 = vector.shape_cast %get3A_11 : vector<1x256xf32> to vector<256xf32>
    %broadcast_in_dim3A_13 = vector.shape_cast %get3A_12 : vector<256xf32> to vector<1x256xf32>
    %div3A = vector.broadcast %broadcast_in_dim3A_13 : vector<1x256xf32> to vector<2048x256xf32>
    %div3A_14 = arith.divf %sub3A_8, %div3A : vector<2048x256xf32>
    %get3A_15 = arith.constant 0 : index
    %get3A_16 = arith.constant 0 : index
    %get3A_17 = vector.load %arg3[%get3A_15, %get3A_16] : memref<1x256xf32, #tpu.memory_space<vmem>>, vector<1x256xf32>
    %mul3A = vector.broadcast %get3A_17 : vector<1x256xf32> to vector<2048x256xf32>
    %mul3A_18 = arith.mulf %div3A_14, %mul3A : vector<2048x256xf32>
    %get3A_19 = arith.constant 0 : index
    %get3A_20 = arith.constant 0 : index
    %get3A_21 = vector.load %arg4[%get3A_19, %get3A_20] : memref<1x256xf32, #tpu.memory_space<vmem>>, vector<1x256xf32>
    %add3A = vector.broadcast %get3A_21 : vector<1x256xf32> to vector<2048x256xf32>
    %add3A_22 = arith.addf %mul3A_18, %add3A : vector<2048x256xf32>
    %ge3A = arith.constant 0.000000e+00 : f32
    %ge3A_23 = vector.broadcast %ge3A : f32 to vector<2048x256xf32>
    %ge3A_24 = arith.cmpf oge, %add3A_22, %ge3A_23 : vector<2048x256xf32>
    %mul3A_25 = arith.constant 2.000000e-01 : f32
    %mul3A_26 = vector.broadcast %mul3A_25 : f32 to vector<2048x256xf32>
    %mul3A_27 = arith.mulf %mul3A_26, %add3A_22 : vector<2048x256xf32>
    %select_n3A = arith.select %ge3A_24, %add3A_22, %mul3A_27 : vector<2048x256xi1>, vector<2048x256xf32>
    %swap3A = arith.constant 0 : index
    %swap3A_28 = arith.constant 0 : index
    %swap3A_29 = arith.constant 0 : index
    %swap3A_30 = vector.load %arg5[%swap3A, %swap3A_28, %swap3A_29] : memref<1x2048x256xf32, #tpu.memory_space<vmem>>, vector<1x2048x256xf32>
    %swap3A_31 = vector.shape_cast %swap3A_30 : vector<1x2048x256xf32> to vector<2048x256xf32>
    %swap3A_32 = vector.shape_cast %select_n3A : vector<2048x256xf32> to vector<1x2048x256xf32>
    tpu.vector_store %arg5[%swap3A, %swap3A_28, %swap3A_29], %swap3A_32 {strides = array<i32>} : memref<1x2048x256xf32, #tpu.memory_space<vmem>>, vector<1x2048x256xf32>,
    return
  }
  func.func @transform_0(%arg0: i32) -> (i32, i32, i32) {
    %c0_i32 = arith.constant 0 : i32
    %c0_i32_0 = arith.constant 0 : i32
    %c0_i32_1 = arith.constant 0 : i32
    return %arg0, %c0_i32, %c0_i32_0 : i32, i32, i32
  }
  func.func @transform_1(%arg0: i32) -> (i32, i32) {
    %c0_i32 = arith.constant 0 : i32
    %c0_i32_0 = arith.constant 0 : i32
    %c0_i32_1 = arith.constant 0 : i32
    return %c0_i32, %c0_i32_0 : i32, i32
  }
  func.func @transform_2(%arg0: i32) -> (i32, i32) {
    %c0_i32 = arith.constant 0 : i32
    %c0_i32_0 = arith.constant 0 : i32
    %c0_i32_1 = arith.constant 0 : i32
    return %c0_i32, %c0_i32_0 : i32, i32
  }
  func.func @transform_3(%arg0: i32) -> (i32, i32) {
    %c0_i32 = arith.constant 0 : i32
    %c0_i32_0 = arith.constant 0 : i32
    %c0_i32_1 = arith.constant 0 : i32
    return %c0_i32, %c0_i32_0 : i32, i32
  }
  func.func @transform_4(%arg0: i32) -> (i32, i32, i32) {
    %c0_i32 = arith.constant 0 : i32
    %c0_i32_0 = arith.constant 0 : i32
    %c0_i32_1 = arith.constant 0 : i32
    return %arg0, %c0_i32, %c0_i32_0 : i32, i32, i32
  }
}

module attributes {stable_mosaic.version = 14 : i64} {
  func.func @_head_body(%arg0: i32, %arg1: memref<4x2048x256xf32, #tpu.memory_space<vmem>>, %arg2: memref<256x128xf32, #tpu.memory_space<vmem>>, %arg3: memref<1x128xf32, #tpu.memory_space<vmem>>, %arg4: memref<128x64xf32, #tpu.memory_space<vmem>>, %arg5: memref<1x64xf32, #tpu.memory_space<vmem>>, %arg6: memref<64x128xf32, #tpu.memory_space<vmem>>, %arg7: memref<1x128xf32, #tpu.memory_space<vmem>>, %arg8: memref<4x128xf32, #tpu.memory_space<vmem>>) attributes {dimension_semantics = [#tpu.dimension_semantics<arbitrary>], iteration_bounds = array<i64: 1>, scalar_prefetch = 0 : i64, scratch_operands = 0 : i64, tpu.core_type = #tpu.core_type<tc>, window_params = [{pipeline_mode = #tpu.pipeline_mode<synchronous>, transform_indices = @transform_0, window_bounds = array<i64: 4, 2048, 256>}, {pipeline_mode = #tpu.pipeline_mode<synchronous>, transform_indices = @transform_1, window_bounds = array<i64: 256, 128>}, {pipeline_mode = #tpu.pipeline_mode<synchronous>, transform_indices = @transform_2, window_bounds = array<i64: 1, 128>}, {pipeline_mode = #tpu.pipeline_mode<synchronous>, transform_indices = @transform_3, window_bounds = array<i64: 128, 64>}, {pipeline_mode = #tpu.pipeline_mode<synchronous>, transform_indices = @transform_4, window_bounds = array<i64: 1, 64>}, {pipeline_mode = #tpu.pipeline_mode<synchronous>, transform_indices = @transform_5, window_bounds = array<i64: 64, 128>}, {pipeline_mode = #tpu.pipeline_mode<synchronous>, transform_indices = @transform_6, window_bounds = array<i64: 1, 128>}, {pipeline_mode = #tpu.pipeline_mode<synchronous>, transform_indices = @transform_7, window_bounds = array<i64: 4, 128>}]} {
    %get3A = arith.constant 0 : index
    %get3A_0 = arith.constant 0 : index
    %get3A_1 = arith.constant 0 : index
    %get3A_2 = vector.load %arg1[%get3A, %get3A_0, %get3A_1] : memref<4x2048x256xf32, #tpu.memory_space<vmem>>, vector<4x2048x256xf32>
    %reduce_max3A = arith.constant dense<0xFF800000> : vector<4x256xf32>
    %reduce_max3A_3 = vector.multi_reduction <maximumf>, %get3A_2, %reduce_max3A [1] : vector<4x2048x256xf32> to vector<4x256xf32>
    %convert_element_type3A = arith.truncf %reduce_max3A_3 : vector<4x256xf32> to vector<4x256xbf16>
    %get3A_4 = arith.constant 0 : index
    %get3A_5 = arith.constant 0 : index
    %get3A_6 = vector.load %arg2[%get3A_4, %get3A_5] : memref<256x128xf32, #tpu.memory_space<vmem>>, vector<256x128xf32>
    %convert_element_type3A_7 = arith.truncf %get3A_6 : vector<256x128xf32> to vector<256x128xbf16>
    %dot_general3A = arith.constant dense<0.000000e+00> : vector<4x128xf32>
    %dot_general3A_8 = tpu.matmul %convert_element_type3A, %convert_element_type3A_7, %dot_general3A {dimension_numbers = #tpu.dot_dimension_numbers<[1], [0], [0], [1], [0, 0, 1, 1], [], []>, transpose_lhs_hint = false} : vector<4x256xbf16>, vector<256x128xbf16>, vector<4x128xf32> -> vector<4x128xf32>
    %get3A_9 = arith.constant 0 : index
    %get3A_10 = arith.constant 0 : index
    %get3A_11 = vector.load %arg3[%get3A_9, %get3A_10] : memref<1x128xf32, #tpu.memory_space<vmem>>, vector<1x128xf32>
    %add3A = vector.broadcast %get3A_11 : vector<1x128xf32> to vector<4x128xf32>
    %add3A_12 = arith.addf %dot_general3A_8, %add3A : vector<4x128xf32>
    %ge3A = arith.constant 0.000000e+00 : f32
    %ge3A_13 = vector.broadcast %ge3A : f32 to vector<4x128xf32>
    %ge3A_14 = arith.cmpf oge, %add3A_12, %ge3A_13 : vector<4x128xf32>
    %mul3A = arith.constant 2.000000e-01 : f32
    %mul3A_15 = vector.broadcast %mul3A : f32 to vector<4x128xf32>
    %mul3A_16 = arith.mulf %mul3A_15, %add3A_12 : vector<4x128xf32>
    %select_n3A = arith.select %ge3A_14, %add3A_12, %mul3A_16 : vector<4x128xi1>, vector<4x128xf32>
    %convert_element_type3A_17 = arith.truncf %select_n3A : vector<4x128xf32> to vector<4x128xbf16>
    %get3A_18 = arith.constant 0 : index
    %get3A_19 = arith.constant 0 : index
    %get3A_20 = vector.load %arg4[%get3A_18, %get3A_19] : memref<128x64xf32, #tpu.memory_space<vmem>>, vector<128x64xf32>
    %convert_element_type3A_21 = arith.truncf %get3A_20 : vector<128x64xf32> to vector<128x64xbf16>
    %dot_general3A_22 = arith.constant dense<0.000000e+00> : vector<4x64xf32>
    %dot_general3A_23 = tpu.matmul %convert_element_type3A_17, %convert_element_type3A_21, %dot_general3A_22 {dimension_numbers = #tpu.dot_dimension_numbers<[1], [0], [0], [1], [0, 0, 1, 1], [], []>, transpose_lhs_hint = false} : vector<4x128xbf16>, vector<128x64xbf16>, vector<4x64xf32> -> vector<4x64xf32>
    %get3A_24 = arith.constant 0 : index
    %get3A_25 = arith.constant 0 : index
    %get3A_26 = vector.load %arg5[%get3A_24, %get3A_25] : memref<1x64xf32, #tpu.memory_space<vmem>>, vector<1x64xf32>
    %add3A_27 = vector.broadcast %get3A_26 : vector<1x64xf32> to vector<4x64xf32>
    %add3A_28 = arith.addf %dot_general3A_23, %add3A_27 : vector<4x64xf32>
    %ge3A_29 = arith.constant 0.000000e+00 : f32
    %ge3A_30 = vector.broadcast %ge3A_29 : f32 to vector<4x64xf32>
    %ge3A_31 = arith.cmpf oge, %add3A_28, %ge3A_30 : vector<4x64xf32>
    %mul3A_32 = arith.constant 2.000000e-01 : f32
    %mul3A_33 = vector.broadcast %mul3A_32 : f32 to vector<4x64xf32>
    %mul3A_34 = arith.mulf %mul3A_33, %add3A_28 : vector<4x64xf32>
    %select_n3A_35 = arith.select %ge3A_31, %add3A_28, %mul3A_34 : vector<4x64xi1>, vector<4x64xf32>
    %convert_element_type3A_36 = arith.truncf %select_n3A_35 : vector<4x64xf32> to vector<4x64xbf16>
    %get3A_37 = arith.constant 0 : index
    %get3A_38 = arith.constant 0 : index
    %get3A_39 = vector.load %arg6[%get3A_37, %get3A_38] : memref<64x128xf32, #tpu.memory_space<vmem>>, vector<64x128xf32>
    %convert_element_type3A_40 = arith.truncf %get3A_39 : vector<64x128xf32> to vector<64x128xbf16>
    %dot_general3A_41 = arith.constant dense<0.000000e+00> : vector<4x128xf32>
    %dot_general3A_42 = tpu.matmul %convert_element_type3A_36, %convert_element_type3A_40, %dot_general3A_41 {dimension_numbers = #tpu.dot_dimension_numbers<[1], [0], [0], [1], [0, 0, 1, 1], [], []>, transpose_lhs_hint = false} : vector<4x64xbf16>, vector<64x128xbf16>, vector<4x128xf32> -> vector<4x128xf32>
    %get3A_43 = arith.constant 0 : index
    %get3A_44 = arith.constant 0 : index
    %get3A_45 = vector.load %arg7[%get3A_43, %get3A_44] : memref<1x128xf32, #tpu.memory_space<vmem>>, vector<1x128xf32>
    %add3A_46 = vector.broadcast %get3A_45 : vector<1x128xf32> to vector<4x128xf32>
    %add3A_47 = arith.addf %dot_general3A_42, %add3A_46 : vector<4x128xf32>
    %neg3A = arith.constant 0.000000e+00 : f32
    %neg3A_48 = vector.broadcast %neg3A : f32 to vector<4x128xf32>
    %neg3A_49 = arith.subf %neg3A_48, %add3A_47 : vector<4x128xf32>
    %exp3A = math.exp %neg3A_49 : vector<4x128xf32>
    %add3A_50 = arith.constant 1.000000e+00 : f32
    %add3A_51 = vector.broadcast %add3A_50 : f32 to vector<4x128xf32>
    %add3A_52 = arith.addf %add3A_51, %exp3A : vector<4x128xf32>
    %div3A = arith.constant 1.000000e+00 : f32
    %div3A_53 = vector.broadcast %div3A : f32 to vector<4x128xf32>
    %div3A_54 = arith.divf %div3A_53, %add3A_52 : vector<4x128xf32>
    %swap3A = arith.constant 0 : index
    %swap3A_55 = arith.constant 0 : index
    %swap3A_56 = vector.load %arg8[%swap3A, %swap3A_55] : memref<4x128xf32, #tpu.memory_space<vmem>>, vector<4x128xf32>
    tpu.vector_store %arg8[%swap3A, %swap3A_55], %div3A_54 {strides = array<i32>} : memref<4x128xf32, #tpu.memory_space<vmem>>, vector<4x128xf32>,
    return
  }
  func.func @transform_0(%arg0: i32) -> (i32, i32, i32) {
    %c0_i32 = arith.constant 0 : i32
    %c0_i32_0 = arith.constant 0 : i32
    %c0_i32_1 = arith.constant 0 : i32
    %c0_i32_2 = arith.constant 0 : i32
    return %c0_i32, %c0_i32_0, %c0_i32_1 : i32, i32, i32
  }
  func.func @transform_1(%arg0: i32) -> (i32, i32) {
    %c0_i32 = arith.constant 0 : i32
    %c0_i32_0 = arith.constant 0 : i32
    %c0_i32_1 = arith.constant 0 : i32
    return %c0_i32, %c0_i32_0 : i32, i32
  }
  func.func @transform_2(%arg0: i32) -> (i32, i32) {
    %c0_i32 = arith.constant 0 : i32
    %c0_i32_0 = arith.constant 0 : i32
    %c0_i32_1 = arith.constant 0 : i32
    return %c0_i32, %c0_i32_0 : i32, i32
  }
  func.func @transform_3(%arg0: i32) -> (i32, i32) {
    %c0_i32 = arith.constant 0 : i32
    %c0_i32_0 = arith.constant 0 : i32
    %c0_i32_1 = arith.constant 0 : i32
    return %c0_i32, %c0_i32_0 : i32, i32
  }
  func.func @transform_4(%arg0: i32) -> (i32, i32) {
    %c0_i32 = arith.constant 0 : i32
    %c0_i32_0 = arith.constant 0 : i32
    %c0_i32_1 = arith.constant 0 : i32
    return %c0_i32, %c0_i32_0 : i32, i32
  }
  func.func @transform_5(%arg0: i32) -> (i32, i32) {
    %c0_i32 = arith.constant 0 : i32
    %c0_i32_0 = arith.constant 0 : i32
    %c0_i32_1 = arith.constant 0 : i32
    return %c0_i32, %c0_i32_0 : i32, i32
  }
  func.func @transform_6(%arg0: i32) -> (i32, i32) {
    %c0_i32 = arith.constant 0 : i32
    %c0_i32_0 = arith.constant 0 : i32
    %c0_i32_1 = arith.constant 0 : i32
    return %c0_i32, %c0_i32_0 : i32, i32
  }
  func.func @transform_7(%arg0: i32) -> (i32, i32) {
    %c0_i32 = arith.constant 0 : i32
    %c0_i32_0 = arith.constant 0 : i32
    %c0_i32_1 = arith.constant 0 : i32
    return %c0_i32, %c0_i32_0 : i32, i32
  }
}

</mosaic_0001>

<sc_bundles>
// kernel: kernel.21.cloned.1.call-start
scs
__scs_entry_jumppad:
0x0: {  	(pc) =	sbr.rel $0x88, $3  }
0x1: {  	(tag) =	ssettag $0x0;
	lr =	simm.s32 $0x1  }
0x2: {  	[smem:$0x3F8E] =	sst lr;
	_ =	strace $0xD0000000  }
0x3: {  	_ = 	snop  }
0x4: {  	_ = 	snop  }
0x5: {  	_ = 	snop  }
0x6: {  	_ = 	snop  }
0x7: {  	_ = 	snop  }
__scs_overlays_trampoline_lowered:
0x8: {  	[smem:$0x3F9D] =	sst s0  }
0x9: {  	[smem:$0x3F9E] =	sst s1  }
0xa: {  	[smem:$0x3F9F] =	sst s2  }
0xb: {  	[smem:$0x3FA0] =	sst s3  }
0xc: {  	[smem:$0x3FA1] =	sst s4  }
0xd: {  	[smem:$0x3FA2] =	sst s5  }
0xe: {  	[smem:$0x3FA3] =	sst s6  }
0xf: {  	[smem:$0x3FA4] =	sst s7  }
0x10: {  	[smem:$0x3FA5] =	sst s8  }
0x11: {  	[smem:$0x3FA6] =	sst s9;
	s0 =	simm.s32 @!p0 $0x0  }
0x12: {  	s1 =	sld [smem:$0x3F8C];
	s0 =	simm.s32 @p0 $0x1  }
0x13: {  	[smem:$0x3FA7] =	sst s0;
	s0 =	simm.s32 @!p1 $0x0  }
0x14: {  	s2 =	sld [smem:$0x3F8B];
	s0 =	simm.s32 @p1 $0x1  }
0x15: {  	[smem:$0x3FA8] =	sst s0;
	s0 =	simm.s32 @!p2 $0x0  }
0x16: {  	s3 =	sld [smem:$0x3FDB];
	s0 =	simm.s32 @p2 $0x1  }
0x17: {  	s4 =	simm.s32 $0x1BF5;
	[smem:$0x3FAA] =	sst s0  }
0x18: {  	s0 =	sld [smem:$0x3F8D];
	_ =	swait.ge [sflag:s4], $0x0  }
0x19: {  	s7 =	sld [smem:$0x3F8E]  }
0x1a: {  	s8 =	sadd.s32 $0xFFFFE003, lr  }
0x1b: {  	s9 =	sadd.s32 $0xFFFFFEF7, lr;
	s5 =	simm.s32 $0xFFFFFFFF;
	p2 =	slt.u32 s8, $0xFFFFF086  }
0x1c: {  	p1 =	slt.u32 s9, $0xF7A;
	s5 =	simm.s32 @!p2 $0x0  }
0x1d: {  	s5 =	simm.s32 @p1 $0x1;
	p0 =	seq.s32 s7, s2  }
0x1e: {  	s7 =	smul.u32 @!p0 $0xF7A, s2;
	p2 =	seq.s32 @!p0 s5, $0x0  }
0x1f: {  	s9 =	smul.u32 $0xF7A, s1;
	s8 =	simm.s32 @!p0 $0x1BF5;
	p2 =	por !p2, p0  }
0x20: {  	[sflag:s8] =	ssyncset.s32 @!p0 $0xFFFFF086;
	s6 =	sadd.s32 @!p0 s3, s7;
	s7 =	simm.s32 @!p0 $0x108  }
0x21: {  	s3 =	sadd.s32 s3, s9;
	s6 =	sadd.s32 @!p0 $0x88, s6;
	s7 =	simm.s32 @p2 $0x1082  }
0x22: {  	[simem:s7], [sflag:s8] =	dma.local @!p0 [hbm:s6], $0xF7A  }
0x23: {  	s9 =	sor.u32 $0xD0000000, s2;
	s6 =	simm.s32 $0x108;
	_ =	swait.ge @!p0 [sflag:s8], $0x0  }
0x24: {  	s3 =	sadd.s32 $0x88, s3;
	s6 =	simm.s32 @!p1 $0x1082;
	[sflag:s4] =	ssyncset.s32 $0xFFFFF086  }
0x25: {  	[simem:s6], [sflag:s4] =	dma.local [hbm:s3], $0xF7A  }
0x26: {  	[smem:$0x3F8E] =	sst s1;
	(tag) =	ssettag s2;
	_ =	strace s9  }
0x27: {  	s1 =	sld [smem:$0x3F9E]  }
0x28: {  	s2 =	sld [smem:$0x3F9F]  }
0x29: {  	s4 =	sld [smem:$0x3FA1]  }
0x2a: {  	p0 =	seq.s32 s5, $0x0;
	s5 =	sld [smem:$0x3FA2]  }
0x2b: {  	s6 =	sld [smem:$0x3FA3]  }
0x2c: {  	s7 =	sld [smem:$0x3FA4]  }
0x2d: {  	s3 =	simm.s32 $0x108;
	s8 =	sld [smem:$0x3FA5]  }
0x2e: {  	s3 =	simm.s32 @!p0 $0x1082;
	s9 =	sld [smem:$0x3FA6]  }
0x2f: {  	lr =	sadd.s32 s0, s3;
	s0 =	sld [smem:$0x3F9D]  }
0x30: {  	s3 =	sld [smem:$0x3FA0]  }
0x31: {  	[smem:$0x3FA9] =	sst s10  }
0x32: {  	s10 =	sld [smem:$0x3FA7];
	_ =	sdelay $0x3  }
0x33: {  	p0 =	seq.s32 s10, $0x1;
	s10 =	sld [smem:$0x3FA9];
	_ =	sdelay $0x3  }
0x34: {  	[smem:$0x3FA9] =	sst s10  }
0x35: {  	s10 =	sld [smem:$0x3FA8];
	_ =	sdelay $0x3  }
0x36: {  	p1 =	seq.s32 s10, $0x1;
	s10 =	sld [smem:$0x3FA9];
	_ =	sdelay $0x3  }
0x37: {  	[smem:$0x3FA9] =	sst s10  }
0x38: {  	s10 =	sld [smem:$0x3FAA]  }
0x39: {  	_ = 	snop;
	(pc) =	sbr.ind lr, $3  }
0x3a: {  	_ = 	snop  }
0x3b: {  	_ = 	snop  }
0x3c: {  	p2 =	seq.s32 s10, $0x1;
	s10 =	sld [smem:$0x3FA9]  }
0x3d: {  	_ =	shalt  }
0x3e: {  	_ =	shalt  }
0x3f: {  	_ =	shalt  }
0x40: {  	_ =	shalt  }
0x41: {  	_ =	shalt  }
0x42: {  	_ =	shalt  }
0x43: {  	_ =	shalt  }
0x44: {  	_ =	shalt  }
0x45: {  	_ =	shalt  }
0x46: {  	_ =	shalt  }
0x47: {  	_ =	shalt  }
0x48: {  	_ =	shalt  }
0x49: {  	_ =	shalt  }
0x4a: {  	_ =	shalt  }
0x4b: {  	_ =	shalt  }
0x4c: {  	_ =	shalt  }
0x4d: {  	_ =	shalt  }
0x4e: {  	_ =	shalt  }
0x4f: {  	_ =	shalt  }
0x50: {  	_ =	shalt  }
0x51: {  	_ =	shalt  }
0x52: {  	_ =	shalt  }
0x53: {  	_ =	shalt  }
0x54: {  	_ =	shalt  }
0x55: {  	_ =	shalt  }
0x56: {  	_ =	shalt  }
0x57: {  	_ =	shalt  }
0x58: {  	_ =	shalt  }
0x59: {  	_ =	shalt  }
0x5a: {  	_ =	shalt  }
0x5b: {  	_ =	shalt  }
0x5c: {  	_ =	shalt  }
0x5d: {  	_ =	shalt  }
0x5e: {  	_ =	shalt  }
0x5f: {  	_ =	shalt  }
0x60: {  	_ =	shalt  }
0x61: {  	_ =	shalt  }
0x62: {  	_ =	shalt  }
0x63: {  	_ =	shalt  }
0x64: {  	_ =	shalt  }
0x65: {  	_ =	shalt  }
0x66: {  	_ =	shalt  }
0x67: {  	_ =	shalt  }
0x68: {  	_ =	shalt  }
0x69: {  	_ =	shalt  }
0x6a: {  	_ =	shalt  }
0x6b: {  	_ =	shalt  }
0x6c: {  	_ =	shalt  }
0x6d: {  	_ =	shalt  }
0x6e: {  	_ =	shalt  }
0x6f: {  	_ =	shalt  }
0x70: {  	_ =	shalt  }
0x71: {  	_ =	shalt  }
0x72: {  	_ =	shalt  }
0x73: {  	_ =	shalt  }
0x74: {  	_ =	shalt  }
0x75: {  	_ =	shalt  }
0x76: {  	_ =	shalt  }
0x77: {  	_ =	shalt  }
0x78: {  	_ =	shalt  }
0x79: {  	_ =	shalt  }
0x7a: {  	_ =	shalt  }
0x7b: {  	_ =	shalt  }
0x7c: {  	_ =	shalt  }
0x7d: {  	_ =	shalt  }
0x7e: {  	_ =	shalt  }
0x7f: {  	_ =	shalt  }
0x80: {  	_ =	shalt  }
0x81: {  	_ =	shalt  }
0x82: {  	_ =	shalt  }
0x83: {  	_ =	shalt  }
0x84: {  	_ =	shalt  }
0x85: {  	_ =	shalt  }
0x86: {  	_ =	shalt  }
0x87: {  	_ =	shalt  }
.Lfunc_end0:
.L_simem_size_0:
called_computation_lowered:
.L_overlay_start_0:
0x88: {  	s2 =	sld [smem:$0x3FD9]  }
0x89: {  	s3 =	sld [smem:$0x3FFE];
	_ =	sdelay $0x1  }
0x8a: {  	s1 =	srdreg.scid  }
0x8b: {  	s0 =	sand.u32 $0x1, s1  }
0x8c: {  	s16 =	sshll.u32 s0, $0xA;
	s2 =	sadd.s32 s3, s2  }
0x8d: {  	s2 =	sadd.s32 s2, s16  }
0x8e: {  	[smem:$0x3FB5] =	sst s2  }
0x8f: {  	_ = 	snop  }
0x90: {  	(tm) =	ssettm $0x1  }
0x91: {  	s17 =	sld [smem:$0x3FFB];
	_ =	sdelay $0x3  }
0x92: {  	_ =	strace s17  }
0x93: {  	s2 =	sld [smem:$0x3FFC];
	_ =	sdelay $0x3  }
0x94: {  	_ =	strace s2  }
0x95: {  	s2 =	sld [smem:$0x3FFD];
	_ =	sdelay $0x3  }
0x96: {  	_ =	strace s2  }
0x97: {  	_ =	strace $0x8FFFFFFF  }
0x98: {  	s18 =	sld [smem:$0x3FDB];
	_ =	sdelay $0x1  }
0x99: {  	s19 =	simm.s32 $_scs_section_size  }
0x9a: {  	s4 =	simm.s32 $_size__tile_overlayer_lowered;
	s5 =	simm.s32 $_tile_overlayer_lowered  }
0x9b: {  	s22 =	simm.s32 $0x1BFF;
	s21 =	sshll.u32 s5, $0x1;
	s2 =	sadd.s32 s19, s18  }
0x9c: {  	s6 =	simm.s32 $0x0;
	s20 =	sshll.u32 s4, $0x1;
	s4 =	sadd.s32 s21, s2  }
0x9d: {  	[timem:s6], [sflag:s22] =	dma.local [hbm:s4], s20  }
0x9e: {  	_ =	swait.ge [sflag:s22], s20  }
0x9f: {  	s3 =	ssub.s32 $0x0, s20;
	[sflag:s22] =	ssyncset.done $0x0  }
0xa0: {  	[sflag:s22] =	ssyncadd.s32 s3;
	_ =	sdelay $0x1  }
0xa1: {  	s23 =	simm.s32 $0x1B8B  }
0xa2: {  	_ =	swait.ge [sflag:s23], $0x1  }
0xa3: {  	[sflag:s23] =	ssyncset.done $0x0  }
0xa4: {  	s25 =	simm.s32 $0x1B8E;
	s24 =	sld [smem:$0x3FFE];
	[sflag:s23] =	ssyncadd.s32 $0xFFFFFFFF  }
0xa5: {  	s26 =	simm.s32 $execute0_lowered;
	[smem:$0x3FD2] =	sst s25  }
0xa6: {  	s4 =	sshll.u32 s26, $0x1;
	_ =	strace $0x80000046;
	[dreg:$0x1] =	wrdreg $0xFFFFFFFF  }
0xa7: {  	s28 =	simm.s32 $_size_execute0_lowered;
	s2 =	sadd.s32 s2, s4;
	[dreg:$0x0] =	wrdreg $0x0  }
0xa8: {  	s4 =	sshll.u32 s28, $0x1;
	[dreg:$0x2] =	wrdreg s2  }
0xa9: {  	[dreg:$0x3] =	wrdreg s4  }
0xaa: {  	[dreg:$0x4] =	wrdreg $0xC0  }
0xab: {  	_ =	task [dreg:s6], $0x5FFFF  }
0xac: {  	[dreg:$0x1] =	wrdreg $0xFFFFFFFF  }
0xad: {  	[dreg:$0x0] =	wrdreg $0x60  }
0xae: {  	[dreg:$0x2] =	wrdreg s24  }
0xaf: {  	[dreg:$0x3] =	wrdreg $0x9  }
0xb0: {  	_ =	task.clear_ibuf [dreg:s6], $0x4FFFF;
	_ =	strace $0x90000046  }
0xb1: {  	s29 =	simm.s32 $0x9;
	_ =	strace $0x80000048  }
0xb2: {  	_ =	swait.ge [sflag:s29], $0x1  }
0xb3: {  	[sflag:s29] =	ssyncadd.s32 $0xFFFFFFFF  }
0xb4: {  	_ =	strace $0x90000048  }
0xb5: {  	_ =	sfence  }
0xb6: {  	s30 =	sld [smem:$0x0];
	_ =	sdelay $0x2  }
0xb7: {  	s31 =	sshll.u32 s1, $0xD;
	s1 =	sshrl.u32 s1, $0x2  }
0xb8: {  	s3 =	sand.u32 $0x4000, s31;
	s1 =	sadd.s32 s1, s30  }
0xb9: {  	s0 =	sor.u32 s3, s0;
	s1 =	sshll.u32 s1, $0x11  }
0xba: {  	s0 =	sor.u32 s1, s0  }
0xbb: {  	s0 =	sadd.s32 $0x8F2B, s0  }
0xbc: {  	[sflag:s0] =	ssyncadd.remote.s32 $0x1  }
0xbd: {  	_ =	sfence.sel $0xFFFF  }
0xbe: {  	[dreg:$0x0] =	wrdreg $0xFFFFFFFF;
	(pc) =	sbr.abs _section_cstart, $3  }
0xbf: {  	[dreg:$0x1] =	wrdreg $0xFFFFFFFF  }
0xc0: {  	_ =	task.clear_ibuf [dreg:s6], $0x2FFFF;
	_ =	strace $0x9FFFFFFF  }
0xc1: {  	(tm) =	ssettm $0x7FFFFFFF  }
tec
execute0_lowered:
.L_overlay_start_1:
0x0: {  	(tag) =	ssettag $0x1  }
0x1: {  	s4 =	rddreg [dreg:$0x0]  }
0x2: {  	s0 =	rddreg [dreg:$0x1];
	s2 =	simm.s32 $0x0;
	s3 =	srdreg.scid  }
0x3: {  	s1 =	stileid.u32;
	s10 =	simm.s32 $0x0;
	[smem:$0x7FF] =	sst s2  }
0x4: {  	s5 =	sand.u32 $0x1, s3;
	s6 =	sshll.u32 s1, $0xD;
	s3 =	sadd.s32 $0x4E00, s4  }
0x5: {  	s8 =	sshll.u32 s1, $0x11;
	_ =	strace $0x80000047;
	s7 =	sshll.u32 s5, $0xC  }
0x6: {  	s31 =	ssub.s32 $0x2, s5;
	s8 =	sadd.s32 s8, s4;
	s5 =	sshll.u32 s5, $0x10  }
0x7: {  	s6 =	sor.u32 s7, s6;
	s9 =	sshrl.u32 s31, $0x1;
	s5 =	sadd.s32 s5, s8  }
0x8: {  	s8 =	simm.s32 $0x80;
	s6 =	sshrl.u32 s6, $0x3;
	s7 =	ssub.s32 s31, s9  }
0x9: {  	s5 =	sadd.s32 $0x28E00, s5;
	s9 =	simm.s32 $0x1;
	s6 =	sadd.s32 s6, s4  }
0xa: {  	s4 =	smax.u32 s7, $0x1;
	s7 =	simm.s32 $0x2;
	s6 =	sadd.s32 $0x24E00, s6  }
.LBB2_1:
0xb: {  	s11 =	sadd.s32 $0x0, s6  }
0xc: {  	[tilespmem:s2], [sflag:$0x2] =	stream.linear.gather [hbm4b:s11+s2], $0x80, $0x38;
	[tilespmem:$0x4080] =	vst v63  }
0xd: {  	_ =	swait.ge [sflag:s7], $0x80  }
0xe: {  	[sflag:s7] =	ssyncset.done $0x0  }
0xf: {  	[sflag:s7] =	ssyncadd.s32 $0xFFFFFF80  }
0x10: {  	[tilespmem:s8], [sflag:$0x1] =	stream.indirect.gather [hbm4b:s3+s8], $0x80, s2, s8, $0xb8;
	[tilespmem:$0x4080] =	vst v63  }
0x11: {  	_ =	swait.ge [sflag:s9], $0x4000  }
0x12: {  	[sflag:s9] =	ssyncset.done $0x0  }
0x13: {  	[sflag:s9] =	ssyncadd.s32 $0xFFFFC000  }
0x14: {  	[hbm4b:s5+s2] =	stream.linear.scatter [tilespmem:s8], [sflag:$0x2], $0x4000, $0x38;
	[tilespmem:$0x4080] =	vst v63  }
0x15: {  	s12 =	simm.s32 $0x10;
	_ =	swait.ge [sflag:s7], $0x4000  }
0x16: {  	s13 =	simm.s32 $0x20;
	s11 =	sadd.s32 $0x800, s5;
	[sflag:s7] =	ssyncset.done $0x0  }
.LBB2_2:
0x17: {  	s14 =	sadd.s32 s12, s6  }
0x18: {  	[sflag:s7] =	ssyncadd.s32 $0xFFFFC000;
	s12 =	smov.u32 s13;
	s15 =	sadd.s32 $0x10, s13  }
0x19: {  	[tilespmem:s2], [sflag:$0x2] =	stream.linear.gather [hbm4b:s14+s2], $0x80, $0x38;
	[tilespmem:$0x4080] =	vst v63  }
0x1a: {  	p0 =	sne.s32 s13, $0x1F0;
	_ =	swait.ge [sflag:s7], $0x80  }
0x1b: {  	[sflag:s7] =	ssyncset.done $0x0  }
0x1c: {  	[sflag:s7] =	ssyncadd.s32 $0xFFFFFF80  }
0x1d: {  	[tilespmem:s8], [sflag:$0x1] =	stream.indirect.gather [hbm4b:s3+s8], $0x80, s2, s8, $0xb8;
	[tilespmem:$0x4080] =	vst v63  }
0x1e: {  	_ =	swait.ge [sflag:s9], $0x4000  }
.Ltmp0:
0x1f: {  	[sflag:s9] =	ssyncset.done $0x0;
	(pc) =	sbr.rel @p0 .LBB2_2-.Ltmp0, $4  }
0x20: {  	[sflag:s9] =	ssyncadd.s32 $0xFFFFC000  }
0x21: {  	[hbm4b:s11+s2] =	stream.linear.scatter [tilespmem:s8], [sflag:$0x2], $0x4000, $0x38;
	[tilespmem:$0x4080] =	vst v63  }
0x22: {  	_ =	swait.ge [sflag:s7], $0x4000  }
0x23: {  	s13 =	smov.u32 s15;
	s11 =	sadd.s32 $0x800, s11;
	[sflag:s7] =	ssyncset.done $0x0  }
0x24: {  	s12 =	sadd.s32 s12, s6;
	[sflag:s7] =	ssyncadd.s32 $0xFFFFC000  }
0x25: {  	[tilespmem:s2], [sflag:$0x2] =	stream.linear.gather [hbm4b:s12+s2], $0x80, $0x38;
	[tilespmem:$0x4080] =	vst v63  }
0x26: {  	_ =	swait.ge [sflag:s7], $0x80  }
0x27: {  	[sflag:s7] =	ssyncset.done $0x0  }
0x28: {  	[sflag:s7] =	ssyncadd.s32 $0xFFFFFF80  }
0x29: {  	[tilespmem:s8], [sflag:$0x1] =	stream.indirect.gather [hbm4b:s3+s8], $0x80, s2, s8, $0xb8;
	[tilespmem:$0x4080] =	vst v63  }
0x2a: {  	s10 =	sadd.s32 $0x1, s10;
	_ =	swait.ge [sflag:s9], $0x4000  }
0x2b: {  	p0 =	sne.s32 s10, s4;
	[sflag:s9] =	ssyncset.done $0x0  }
.Ltmp1:
0x2c: {  	[sflag:s9] =	ssyncadd.s32 $0xFFFFC000;
	(pc) =	sbr.rel @p0 .LBB2_1-.Ltmp1, $4  }
0x2d: {  	[hbm4b:s11+s2] =	stream.linear.scatter [tilespmem:s8], [sflag:$0x2], $0x4000, $0x38;
	[tilespmem:$0x4080] =	vst v63  }
0x2e: {  	_ =	swait.ge [sflag:s7], $0x4000  }
0x2f: {  	[sflag:s7] =	ssyncset.done $0x0  }
0x30: {  	[sflag:s7] =	ssyncadd.s32 $0xFFFFC000  }
0x31: {  	_ =	sfence.sel $0x180000  }
0x32: {  	[bflag:$0x0] =	sbarrier.arrive $0xFFFF  }
0x33: {  	p0 =	sne.s32 s1, $0x0;
	_ =	strace $0x90000047  }
0x34: {  	s0 =	sadd.s32 @!p0 $0x100000, s0;
	[bflag:$0x2] =	sbarrier.arrive $0xFFFF  }
0x35: {  	[sflag:s0] =	ssyncadd.tile.s32 @!p0 $0x1;
	_ =	shalt  }
.Lfunc_end2:
_tile_overlayer_lowered:
.L_overlay_start_2:
0x36: {  	(tag) =	ssettag $0x2  }
0x37: {  	s0 =	rddreg [dreg:$0x0];
	s2 =	stileid.u32  }
0x38: {  	s1 =	rddreg [dreg:$0x1];
	p0 =	sne.s32 s2, $0x0  }
0x39: {  	s3 =	rddreg [dreg:$0x2];
	[bflag:$0x3] =	sbarrier.arrive $0xFFFF;
	s2 =	simm.s32 @!p0 $0x1C02  }
0x3a: {  	[timem:s3], [sflag:s2] =	dma.local @!p0 [hbm:s0], s1  }
0x3b: {  	s0 =	simm.s32 @!p0 $0x2  }
0x3c: {  	_ =	swait.ge @!p0 [sflag:s0], s1  }
0x3d: {  	s1 =	ssub.s32 @!p0 $0x0, s1;
	[sflag:s0] =	ssyncset.done @!p0 $0x0  }
0x3e: {  	[sflag:s0] =	ssyncadd.s32 @!p0 s1  }
0x3f: {  	[bflag:$0x3] =	sbarrier.arrive $0xFFFF  }
0x40: {  	_ =	shalt  }

// kernel: kernel.24.cloned.1.call-start
scs
__scs_entry_jumppad:
0x0: {  	(pc) =	sbr.rel $0x88, $3  }
0x1: {  	(tag) =	ssettag $0x0;
	lr =	simm.s32 $0x1  }
0x2: {  	[smem:$0x3F8E] =	sst lr;
	_ =	strace $0xD0000000  }
0x3: {  	_ = 	snop  }
0x4: {  	_ = 	snop  }
0x5: {  	_ = 	snop  }
0x6: {  	_ = 	snop  }
0x7: {  	_ = 	snop  }
__scs_overlays_trampoline_lowered:
0x8: {  	[smem:$0x3F9D] =	sst s0  }
0x9: {  	[smem:$0x3F9E] =	sst s1  }
0xa: {  	[smem:$0x3F9F] =	sst s2  }
0xb: {  	[smem:$0x3FA0] =	sst s3  }
0xc: {  	[smem:$0x3FA1] =	sst s4  }
0xd: {  	[smem:$0x3FA2] =	sst s5  }
0xe: {  	[smem:$0x3FA3] =	sst s6  }
0xf: {  	[smem:$0x3FA4] =	sst s7  }
0x10: {  	[smem:$0x3FA5] =	sst s8  }
0x11: {  	[smem:$0x3FA6] =	sst s9;
	s0 =	simm.s32 @!p0 $0x0  }
0x12: {  	s1 =	sld [smem:$0x3F8C];
	s0 =	simm.s32 @p0 $0x1  }
0x13: {  	[smem:$0x3FA7] =	sst s0;
	s0 =	simm.s32 @!p1 $0x0  }
0x14: {  	s2 =	sld [smem:$0x3F8B];
	s0 =	simm.s32 @p1 $0x1  }
0x15: {  	[smem:$0x3FA8] =	sst s0;
	s0 =	simm.s32 @!p2 $0x0  }
0x16: {  	s3 =	sld [smem:$0x3FDB];
	s0 =	simm.s32 @p2 $0x1  }
0x17: {  	s4 =	simm.s32 $0x1BF5;
	[smem:$0x3FAA] =	sst s0  }
0x18: {  	s0 =	sld [smem:$0x3F8D];
	_ =	swait.ge [sflag:s4], $0x0  }
0x19: {  	s7 =	sld [smem:$0x3F8E]  }
0x1a: {  	s8 =	sadd.s32 $0xFFFFE003, lr  }
0x1b: {  	s9 =	sadd.s32 $0xFFFFFEF7, lr;
	s5 =	simm.s32 $0xFFFFFFFF;
	p2 =	slt.u32 s8, $0xFFFFF086  }
0x1c: {  	p1 =	slt.u32 s9, $0xF7A;
	s5 =	simm.s32 @!p2 $0x0  }
0x1d: {  	s5 =	simm.s32 @p1 $0x1;
	p0 =	seq.s32 s7, s2  }
0x1e: {  	s7 =	smul.u32 @!p0 $0xF7A, s2;
	p2 =	seq.s32 @!p0 s5, $0x0  }
0x1f: {  	s9 =	smul.u32 $0xF7A, s1;
	s8 =	simm.s32 @!p0 $0x1BF5;
	p2 =	por !p2, p0  }
0x20: {  	[sflag:s8] =	ssyncset.s32 @!p0 $0xFFFFF086;
	s6 =	sadd.s32 @!p0 s3, s7;
	s7 =	simm.s32 @!p0 $0x108  }
0x21: {  	s3 =	sadd.s32 s3, s9;
	s6 =	sadd.s32 @!p0 $0x88, s6;
	s7 =	simm.s32 @p2 $0x1082  }
0x22: {  	[simem:s7], [sflag:s8] =	dma.local @!p0 [hbm:s6], $0xF7A  }
0x23: {  	s9 =	sor.u32 $0xD0000000, s2;
	s6 =	simm.s32 $0x108;
	_ =	swait.ge @!p0 [sflag:s8], $0x0  }
0x24: {  	s3 =	sadd.s32 $0x88, s3;
	s6 =	simm.s32 @!p1 $0x1082;
	[sflag:s4] =	ssyncset.s32 $0xFFFFF086  }
0x25: {  	[simem:s6], [sflag:s4] =	dma.local [hbm:s3], $0xF7A  }
0x26: {  	[smem:$0x3F8E] =	sst s1;
	(tag) =	ssettag s2;
	_ =	strace s9  }
0x27: {  	s1 =	sld [smem:$0x3F9E]  }
0x28: {  	s2 =	sld [smem:$0x3F9F]  }
0x29: {  	s4 =	sld [smem:$0x3FA1]  }
0x2a: {  	p0 =	seq.s32 s5, $0x0;
	s5 =	sld [smem:$0x3FA2]  }
0x2b: {  	s6 =	sld [smem:$0x3FA3]  }
0x2c: {  	s7 =	sld [smem:$0x3FA4]  }
0x2d: {  	s3 =	simm.s32 $0x108;
	s8 =	sld [smem:$0x3FA5]  }
0x2e: {  	s3 =	simm.s32 @!p0 $0x1082;
	s9 =	sld [smem:$0x3FA6]  }
0x2f: {  	lr =	sadd.s32 s0, s3;
	s0 =	sld [smem:$0x3F9D]  }
0x30: {  	s3 =	sld [smem:$0x3FA0]  }
0x31: {  	[smem:$0x3FA9] =	sst s10  }
0x32: {  	s10 =	sld [smem:$0x3FA7];
	_ =	sdelay $0x3  }
0x33: {  	p0 =	seq.s32 s10, $0x1;
	s10 =	sld [smem:$0x3FA9];
	_ =	sdelay $0x3  }
0x34: {  	[smem:$0x3FA9] =	sst s10  }
0x35: {  	s10 =	sld [smem:$0x3FA8];
	_ =	sdelay $0x3  }
0x36: {  	p1 =	seq.s32 s10, $0x1;
	s10 =	sld [smem:$0x3FA9];
	_ =	sdelay $0x3  }
0x37: {  	[smem:$0x3FA9] =	sst s10  }
0x38: {  	s10 =	sld [smem:$0x3FAA]  }
0x39: {  	_ = 	snop;
	(pc) =	sbr.ind lr, $3  }
0x3a: {  	_ = 	snop  }
0x3b: {  	_ = 	snop  }
0x3c: {  	p2 =	seq.s32 s10, $0x1;
	s10 =	sld [smem:$0x3FA9]  }
0x3d: {  	_ =	shalt  }
0x3e: {  	_ =	shalt  }
0x3f: {  	_ =	shalt  }
0x40: {  	_ =	shalt  }
0x41: {  	_ =	shalt  }
0x42: {  	_ =	shalt  }
0x43: {  	_ =	shalt  }
0x44: {  	_ =	shalt  }
0x45: {  	_ =	shalt  }
0x46: {  	_ =	shalt  }
0x47: {  	_ =	shalt  }
0x48: {  	_ =	shalt  }
0x49: {  	_ =	shalt  }
0x4a: {  	_ =	shalt  }
0x4b: {  	_ =	shalt  }
0x4c: {  	_ =	shalt  }
0x4d: {  	_ =	shalt  }
0x4e: {  	_ =	shalt  }
0x4f: {  	_ =	shalt  }
0x50: {  	_ =	shalt  }
0x51: {  	_ =	shalt  }
0x52: {  	_ =	shalt  }
0x53: {  	_ =	shalt  }
0x54: {  	_ =	shalt  }
0x55: {  	_ =	shalt  }
0x56: {  	_ =	shalt  }
0x57: {  	_ =	shalt  }
0x58: {  	_ =	shalt  }
0x59: {  	_ =	shalt  }
0x5a: {  	_ =	shalt  }
0x5b: {  	_ =	shalt  }
0x5c: {  	_ =	shalt  }
0x5d: {  	_ =	shalt  }
0x5e: {  	_ =	shalt  }
0x5f: {  	_ =	shalt  }
0x60: {  	_ =	shalt  }
0x61: {  	_ =	shalt  }
0x62: {  	_ =	shalt  }
0x63: {  	_ =	shalt  }
0x64: {  	_ =	shalt  }
0x65: {  	_ =	shalt  }
0x66: {  	_ =	shalt  }
0x67: {  	_ =	shalt  }
0x68: {  	_ =	shalt  }
0x69: {  	_ =	shalt  }
0x6a: {  	_ =	shalt  }
0x6b: {  	_ =	shalt  }
0x6c: {  	_ =	shalt  }
0x6d: {  	_ =	shalt  }
0x6e: {  	_ =	shalt  }
0x6f: {  	_ =	shalt  }
0x70: {  	_ =	shalt  }
0x71: {  	_ =	shalt  }
0x72: {  	_ =	shalt  }
0x73: {  	_ =	shalt  }
0x74: {  	_ =	shalt  }
0x75: {  	_ =	shalt  }
0x76: {  	_ =	shalt  }
0x77: {  	_ =	shalt  }
0x78: {  	_ =	shalt  }
0x79: {  	_ =	shalt  }
0x7a: {  	_ =	shalt  }
0x7b: {  	_ =	shalt  }
0x7c: {  	_ =	shalt  }
0x7d: {  	_ =	shalt  }
0x7e: {  	_ =	shalt  }
0x7f: {  	_ =	shalt  }
0x80: {  	_ =	shalt  }
0x81: {  	_ =	shalt  }
0x82: {  	_ =	shalt  }
0x83: {  	_ =	shalt  }
0x84: {  	_ =	shalt  }
0x85: {  	_ =	shalt  }
0x86: {  	_ =	shalt  }
0x87: {  	_ =	shalt  }
.Lfunc_end0:
.L_simem_size_0:
called_computation.1_lowered:
.L_overlay_start_0:
0x88: {  	s2 =	sld [smem:$0x3FD9]  }
0x89: {  	s3 =	sld [smem:$0x3FFE];
	_ =	sdelay $0x1  }
0x8a: {  	s1 =	srdreg.scid  }
0x8b: {  	s0 =	sand.u32 $0x1, s1  }
0x8c: {  	s16 =	sshll.u32 s0, $0xA;
	s2 =	sadd.s32 s3, s2  }
0x8d: {  	s2 =	sadd.s32 s2, s16  }
0x8e: {  	[smem:$0x3FB5] =	sst s2  }
0x8f: {  	_ = 	snop  }
0x90: {  	(tm) =	ssettm $0x1  }
0x91: {  	s17 =	sld [smem:$0x3FFB];
	_ =	sdelay $0x3  }
0x92: {  	_ =	strace s17  }
0x93: {  	s2 =	sld [smem:$0x3FFC];
	_ =	sdelay $0x3  }
0x94: {  	_ =	strace s2  }
0x95: {  	s2 =	sld [smem:$0x3FFD];
	_ =	sdelay $0x3  }
0x96: {  	_ =	strace s2  }
0x97: {  	_ =	strace $0x8FFFFFFF  }
0x98: {  	s18 =	sld [smem:$0x3FDB];
	_ =	sdelay $0x1  }
0x99: {  	s19 =	simm.s32 $_scs_section_size  }
0x9a: {  	s4 =	simm.s32 $_size__tile_overlayer_lowered;
	s5 =	simm.s32 $_tile_overlayer_lowered  }
0x9b: {  	s22 =	simm.s32 $0x1BFF;
	s21 =	sshll.u32 s5, $0x1;
	s2 =	sadd.s32 s19, s18  }
0x9c: {  	s6 =	simm.s32 $0x0;
	s20 =	sshll.u32 s4, $0x1;
	s4 =	sadd.s32 s21, s2  }
0x9d: {  	[timem:s6], [sflag:s22] =	dma.local [hbm:s4], s20  }
0x9e: {  	_ =	swait.ge [sflag:s22], s20  }
0x9f: {  	s3 =	ssub.s32 $0x0, s20;
	[sflag:s22] =	ssyncset.done $0x0  }
0xa0: {  	[sflag:s22] =	ssyncadd.s32 s3;
	_ =	sdelay $0x1  }
0xa1: {  	s23 =	simm.s32 $0x1B8B  }
0xa2: {  	_ =	swait.ge [sflag:s23], $0x1  }
0xa3: {  	[sflag:s23] =	ssyncset.done $0x0  }
0xa4: {  	s25 =	simm.s32 $0x1B8E;
	s24 =	sld [smem:$0x3FFE];
	[sflag:s23] =	ssyncadd.s32 $0xFFFFFFFF  }
0xa5: {  	s26 =	simm.s32 $execute0_lowered;
	[smem:$0x3FD2] =	sst s25  }
0xa6: {  	s4 =	sshll.u32 s26, $0x1;
	_ =	strace $0x80000049;
	[dreg:$0x1] =	wrdreg $0xFFFFFFFF  }
0xa7: {  	s28 =	simm.s32 $_size_execute0_lowered;
	s2 =	sadd.s32 s2, s4;
	[dreg:$0x0] =	wrdreg $0x0  }
0xa8: {  	s4 =	sshll.u32 s28, $0x1;
	[dreg:$0x2] =	wrdreg s2  }
0xa9: {  	[dreg:$0x3] =	wrdreg s4  }
0xaa: {  	[dreg:$0x4] =	wrdreg $0xC0  }
0xab: {  	_ =	task [dreg:s6], $0x5FFFF  }
0xac: {  	[dreg:$0x1] =	wrdreg $0xFFFFFFFF  }
0xad: {  	[dreg:$0x0] =	wrdreg $0x60  }
0xae: {  	[dreg:$0x2] =	wrdreg s24  }
0xaf: {  	[dreg:$0x3] =	wrdreg $0x9  }
0xb0: {  	_ =	task.clear_ibuf [dreg:s6], $0x4FFFF;
	_ =	strace $0x90000049  }
0xb1: {  	s29 =	simm.s32 $0x9;
	_ =	strace $0x8000004B  }
0xb2: {  	_ =	swait.ge [sflag:s29], $0x1  }
0xb3: {  	[sflag:s29] =	ssyncadd.s32 $0xFFFFFFFF  }
0xb4: {  	_ =	strace $0x9000004B  }
0xb5: {  	_ =	sfence  }
0xb6: {  	s30 =	sld [smem:$0x0];
	_ =	sdelay $0x2  }
0xb7: {  	s31 =	sshll.u32 s1, $0xD;
	s1 =	sshrl.u32 s1, $0x2  }
0xb8: {  	s3 =	sand.u32 $0x4000, s31;
	s1 =	sadd.s32 s1, s30  }
0xb9: {  	s0 =	sor.u32 s3, s0;
	s1 =	sshll.u32 s1, $0x11  }
0xba: {  	s0 =	sor.u32 s1, s0  }
0xbb: {  	s0 =	sadd.s32 $0x8F2B, s0  }
0xbc: {  	[sflag:s0] =	ssyncadd.remote.s32 $0x1  }
0xbd: {  	_ =	sfence.sel $0xFFFF  }
0xbe: {  	[dreg:$0x0] =	wrdreg $0xFFFFFFFF;
	(pc) =	sbr.abs _section_cstart, $3  }
0xbf: {  	[dreg:$0x1] =	wrdreg $0xFFFFFFFF  }
0xc0: {  	_ =	task.clear_ibuf [dreg:s6], $0x2FFFF;
	_ =	strace $0x9FFFFFFF  }
0xc1: {  	(tm) =	ssettm $0x7FFFFFFF  }
tec
execute0_lowered:
.L_overlay_start_1:
0x0: {  	(tag) =	ssettag $0x1  }
0x1: {  	s4 =	rddreg [dreg:$0x0]  }
0x2: {  	s0 =	rddreg [dreg:$0x1];
	s2 =	simm.s32 $0x0;
	s3 =	srdreg.scid  }
0x3: {  	s1 =	stileid.u32;
	s10 =	simm.s32 $0x0;
	[smem:$0x7FF] =	sst s2  }
0x4: {  	s5 =	sand.u32 $0x1, s3;
	s6 =	sshll.u32 s1, $0xD;
	s3 =	sadd.s32 $0x4E00, s4  }
0x5: {  	s8 =	sshll.u32 s1, $0x11;
	_ =	strace $0x8000004A;
	s7 =	sshll.u32 s5, $0xC  }
0x6: {  	s31 =	ssub.s32 $0x2, s5;
	s8 =	sadd.s32 s8, s4;
	s5 =	sshll.u32 s5, $0x10  }
0x7: {  	s6 =	sor.u32 s7, s6;
	s9 =	sshrl.u32 s31, $0x1;
	s5 =	sadd.s32 s5, s8  }
0x8: {  	s8 =	simm.s32 $0x80;
	s6 =	sshrl.u32 s6, $0x3;
	s7 =	ssub.s32 s31, s9  }
0x9: {  	s5 =	sadd.s32 $0x28E00, s5;
	s9 =	simm.s32 $0x1;
	s6 =	sadd.s32 s6, s4  }
0xa: {  	s4 =	smax.u32 s7, $0x1;
	s7 =	simm.s32 $0x2;
	s6 =	sadd.s32 $0x24E00, s6  }
.LBB2_1:
0xb: {  	s11 =	sadd.s32 $0x0, s6  }
0xc: {  	[tilespmem:s2], [sflag:$0x2] =	stream.linear.gather [hbm4b:s11+s2], $0x80, $0x38;
	[tilespmem:$0x4080] =	vst v63  }
0xd: {  	_ =	swait.ge [sflag:s7], $0x80  }
0xe: {  	[sflag:s7] =	ssyncset.done $0x0  }
0xf: {  	[sflag:s7] =	ssyncadd.s32 $0xFFFFFF80  }
0x10: {  	[tilespmem:s8], [sflag:$0x1] =	stream.indirect.gather [hbm4b:s3+s8], $0x80, s2, s8, $0xb8;
	[tilespmem:$0x4080] =	vst v63  }
0x11: {  	_ =	swait.ge [sflag:s9], $0x4000  }
0x12: {  	[sflag:s9] =	ssyncset.done $0x0  }
0x13: {  	[sflag:s9] =	ssyncadd.s32 $0xFFFFC000  }
0x14: {  	[hbm4b:s5+s2] =	stream.linear.scatter [tilespmem:s8], [sflag:$0x2], $0x4000, $0x38;
	[tilespmem:$0x4080] =	vst v63  }
0x15: {  	s12 =	simm.s32 $0x10;
	_ =	swait.ge [sflag:s7], $0x4000  }
0x16: {  	s13 =	simm.s32 $0x20;
	s11 =	sadd.s32 $0x800, s5;
	[sflag:s7] =	ssyncset.done $0x0  }
.LBB2_2:
0x17: {  	s14 =	sadd.s32 s12, s6  }
0x18: {  	[sflag:s7] =	ssyncadd.s32 $0xFFFFC000;
	s12 =	smov.u32 s13;
	s15 =	sadd.s32 $0x10, s13  }
0x19: {  	[tilespmem:s2], [sflag:$0x2] =	stream.linear.gather [hbm4b:s14+s2], $0x80, $0x38;
	[tilespmem:$0x4080] =	vst v63  }
0x1a: {  	p0 =	sne.s32 s13, $0x1F0;
	_ =	swait.ge [sflag:s7], $0x80  }
0x1b: {  	[sflag:s7] =	ssyncset.done $0x0  }
0x1c: {  	[sflag:s7] =	ssyncadd.s32 $0xFFFFFF80  }
0x1d: {  	[tilespmem:s8], [sflag:$0x1] =	stream.indirect.gather [hbm4b:s3+s8], $0x80, s2, s8, $0xb8;
	[tilespmem:$0x4080] =	vst v63  }
0x1e: {  	_ =	swait.ge [sflag:s9], $0x4000  }
.Ltmp0:
0x1f: {  	[sflag:s9] =	ssyncset.done $0x0;
	(pc) =	sbr.rel @p0 .LBB2_2-.Ltmp0, $4  }
0x20: {  	[sflag:s9] =	ssyncadd.s32 $0xFFFFC000  }
0x21: {  	[hbm4b:s11+s2] =	stream.linear.scatter [tilespmem:s8], [sflag:$0x2], $0x4000, $0x38;
	[tilespmem:$0x4080] =	vst v63  }
0x22: {  	_ =	swait.ge [sflag:s7], $0x4000  }
0x23: {  	s13 =	smov.u32 s15;
	s11 =	sadd.s32 $0x800, s11;
	[sflag:s7] =	ssyncset.done $0x0  }
0x24: {  	s12 =	sadd.s32 s12, s6;
	[sflag:s7] =	ssyncadd.s32 $0xFFFFC000  }
0x25: {  	[tilespmem:s2], [sflag:$0x2] =	stream.linear.gather [hbm4b:s12+s2], $0x80, $0x38;
	[tilespmem:$0x4080] =	vst v63  }
0x26: {  	_ =	swait.ge [sflag:s7], $0x80  }
0x27: {  	[sflag:s7] =	ssyncset.done $0x0  }
0x28: {  	[sflag:s7] =	ssyncadd.s32 $0xFFFFFF80  }
0x29: {  	[tilespmem:s8], [sflag:$0x1] =	stream.indirect.gather [hbm4b:s3+s8], $0x80, s2, s8, $0xb8;
	[tilespmem:$0x4080] =	vst v63  }
0x2a: {  	s10 =	sadd.s32 $0x1, s10;
	_ =	swait.ge [sflag:s9], $0x4000  }
0x2b: {  	p0 =	sne.s32 s10, s4;
	[sflag:s9] =	ssyncset.done $0x0  }
.Ltmp1:
0x2c: {  	[sflag:s9] =	ssyncadd.s32 $0xFFFFC000;
	(pc) =	sbr.rel @p0 .LBB2_1-.Ltmp1, $4  }
0x2d: {  	[hbm4b:s11+s2] =	stream.linear.scatter [tilespmem:s8], [sflag:$0x2], $0x4000, $0x38;
	[tilespmem:$0x4080] =	vst v63  }
0x2e: {  	_ =	swait.ge [sflag:s7], $0x4000  }
0x2f: {  	[sflag:s7] =	ssyncset.done $0x0  }
0x30: {  	[sflag:s7] =	ssyncadd.s32 $0xFFFFC000  }
0x31: {  	_ =	sfence.sel $0x180000  }
0x32: {  	[bflag:$0x0] =	sbarrier.arrive $0xFFFF  }
0x33: {  	p0 =	sne.s32 s1, $0x0;
	_ =	strace $0x9000004A  }
0x34: {  	s0 =	sadd.s32 @!p0 $0x100000, s0;
	[bflag:$0x2] =	sbarrier.arrive $0xFFFF  }
0x35: {  	[sflag:s0] =	ssyncadd.tile.s32 @!p0 $0x1;
	_ =	shalt  }
.Lfunc_end2:
_tile_overlayer_lowered:
.L_overlay_start_2:
0x36: {  	(tag) =	ssettag $0x2  }
0x37: {  	s0 =	rddreg [dreg:$0x0];
	s2 =	stileid.u32  }
0x38: {  	s1 =	rddreg [dreg:$0x1];
	p0 =	sne.s32 s2, $0x0  }
0x39: {  	s3 =	rddreg [dreg:$0x2];
	[bflag:$0x3] =	sbarrier.arrive $0xFFFF;
	s2 =	simm.s32 @!p0 $0x1C02  }
0x3a: {  	[timem:s3], [sflag:s2] =	dma.local @!p0 [hbm:s0], s1  }
0x3b: {  	s0 =	simm.s32 @!p0 $0x2  }
0x3c: {  	_ =	swait.ge @!p0 [sflag:s0], s1  }
0x3d: {  	s1 =	ssub.s32 @!p0 $0x0, s1;
	[sflag:s0] =	ssyncset.done @!p0 $0x0  }
0x3e: {  	[sflag:s0] =	ssyncadd.s32 @!p0 s1  }
0x3f: {  	[bflag:$0x3] =	sbarrier.arrive $0xFFFF  }
0x40: {  	_ =	shalt  }

// kernel: kernel.27.cloned.1.call-start
scs
__scs_entry_jumppad:
0x0: {  	(pc) =	sbr.rel $0x88, $3  }
0x1: {  	(tag) =	ssettag $0x0;
	lr =	simm.s32 $0x1  }
0x2: {  	[smem:$0x3F8E] =	sst lr;
	_ =	strace $0xD0000000  }
0x3: {  	_ = 	snop  }
0x4: {  	_ = 	snop  }
0x5: {  	_ = 	snop  }
0x6: {  	_ = 	snop  }
0x7: {  	_ = 	snop  }
__scs_overlays_trampoline_lowered:
0x8: {  	[smem:$0x3F9D] =	sst s0  }
0x9: {  	[smem:$0x3F9E] =	sst s1  }
0xa: {  	[smem:$0x3F9F] =	sst s2  }
0xb: {  	[smem:$0x3FA0] =	sst s3  }
0xc: {  	[smem:$0x3FA1] =	sst s4  }
0xd: {  	[smem:$0x3FA2] =	sst s5  }
0xe: {  	[smem:$0x3FA3] =	sst s6  }
0xf: {  	[smem:$0x3FA4] =	sst s7  }
0x10: {  	[smem:$0x3FA5] =	sst s8  }
0x11: {  	[smem:$0x3FA6] =	sst s9;
	s0 =	simm.s32 @!p0 $0x0  }
0x12: {  	s1 =	sld [smem:$0x3F8C];
	s0 =	simm.s32 @p0 $0x1  }
0x13: {  	[smem:$0x3FA7] =	sst s0;
	s0 =	simm.s32 @!p1 $0x0  }
0x14: {  	s2 =	sld [smem:$0x3F8B];
	s0 =	simm.s32 @p1 $0x1  }
0x15: {  	[smem:$0x3FA8] =	sst s0;
	s0 =	simm.s32 @!p2 $0x0  }
0x16: {  	s3 =	sld [smem:$0x3FDB];
	s0 =	simm.s32 @p2 $0x1  }
0x17: {  	s4 =	simm.s32 $0x1BF5;
	[smem:$0x3FAA] =	sst s0  }
0x18: {  	s0 =	sld [smem:$0x3F8D];
	_ =	swait.ge [sflag:s4], $0x0  }
0x19: {  	s7 =	sld [smem:$0x3F8E]  }
0x1a: {  	s8 =	sadd.s32 $0xFFFFE003, lr  }
0x1b: {  	s9 =	sadd.s32 $0xFFFFFEF7, lr;
	s5 =	simm.s32 $0xFFFFFFFF;
	p2 =	slt.u32 s8, $0xFFFFF086  }
0x1c: {  	p1 =	slt.u32 s9, $0xF7A;
	s5 =	simm.s32 @!p2 $0x0  }
0x1d: {  	s5 =	simm.s32 @p1 $0x1;
	p0 =	seq.s32 s7, s2  }
0x1e: {  	s7 =	smul.u32 @!p0 $0xF7A, s2;
	p2 =	seq.s32 @!p0 s5, $0x0  }
0x1f: {  	s9 =	smul.u32 $0xF7A, s1;
	s8 =	simm.s32 @!p0 $0x1BF5;
	p2 =	por !p2, p0  }
0x20: {  	[sflag:s8] =	ssyncset.s32 @!p0 $0xFFFFF086;
	s6 =	sadd.s32 @!p0 s3, s7;
	s7 =	simm.s32 @!p0 $0x108  }
0x21: {  	s3 =	sadd.s32 s3, s9;
	s6 =	sadd.s32 @!p0 $0x88, s6;
	s7 =	simm.s32 @p2 $0x1082  }
0x22: {  	[simem:s7], [sflag:s8] =	dma.local @!p0 [hbm:s6], $0xF7A  }
0x23: {  	s9 =	sor.u32 $0xD0000000, s2;
	s6 =	simm.s32 $0x108;
	_ =	swait.ge @!p0 [sflag:s8], $0x0  }
0x24: {  	s3 =	sadd.s32 $0x88, s3;
	s6 =	simm.s32 @!p1 $0x1082;
	[sflag:s4] =	ssyncset.s32 $0xFFFFF086  }
0x25: {  	[simem:s6], [sflag:s4] =	dma.local [hbm:s3], $0xF7A  }
0x26: {  	[smem:$0x3F8E] =	sst s1;
	(tag) =	ssettag s2;
	_ =	strace s9  }
0x27: {  	s1 =	sld [smem:$0x3F9E]  }
0x28: {  	s2 =	sld [smem:$0x3F9F]  }
0x29: {  	s4 =	sld [smem:$0x3FA1]  }
0x2a: {  	p0 =	seq.s32 s5, $0x0;
	s5 =	sld [smem:$0x3FA2]  }
0x2b: {  	s6 =	sld [smem:$0x3FA3]  }
0x2c: {  	s7 =	sld [smem:$0x3FA4]  }
0x2d: {  	s3 =	simm.s32 $0x108;
	s8 =	sld [smem:$0x3FA5]  }
0x2e: {  	s3 =	simm.s32 @!p0 $0x1082;
	s9 =	sld [smem:$0x3FA6]  }
0x2f: {  	lr =	sadd.s32 s0, s3;
	s0 =	sld [smem:$0x3F9D]  }
0x30: {  	s3 =	sld [smem:$0x3FA0]  }
0x31: {  	[smem:$0x3FA9] =	sst s10  }
0x32: {  	s10 =	sld [smem:$0x3FA7];
	_ =	sdelay $0x3  }
0x33: {  	p0 =	seq.s32 s10, $0x1;
	s10 =	sld [smem:$0x3FA9];
	_ =	sdelay $0x3  }
0x34: {  	[smem:$0x3FA9] =	sst s10  }
0x35: {  	s10 =	sld [smem:$0x3FA8];
	_ =	sdelay $0x3  }
0x36: {  	p1 =	seq.s32 s10, $0x1;
	s10 =	sld [smem:$0x3FA9];
	_ =	sdelay $0x3  }
0x37: {  	[smem:$0x3FA9] =	sst s10  }
0x38: {  	s10 =	sld [smem:$0x3FAA]  }
0x39: {  	_ = 	snop;
	(pc) =	sbr.ind lr, $3  }
0x3a: {  	_ = 	snop  }
0x3b: {  	_ = 	snop  }
0x3c: {  	p2 =	seq.s32 s10, $0x1;
	s10 =	sld [smem:$0x3FA9]  }
0x3d: {  	_ =	shalt  }
0x3e: {  	_ =	shalt  }
0x3f: {  	_ =	shalt  }
0x40: {  	_ =	shalt  }
0x41: {  	_ =	shalt  }
0x42: {  	_ =	shalt  }
0x43: {  	_ =	shalt  }
0x44: {  	_ =	shalt  }
0x45: {  	_ =	shalt  }
0x46: {  	_ =	shalt  }
0x47: {  	_ =	shalt  }
0x48: {  	_ =	shalt  }
0x49: {  	_ =	shalt  }
0x4a: {  	_ =	shalt  }
0x4b: {  	_ =	shalt  }
0x4c: {  	_ =	shalt  }
0x4d: {  	_ =	shalt  }
0x4e: {  	_ =	shalt  }
0x4f: {  	_ =	shalt  }
0x50: {  	_ =	shalt  }
0x51: {  	_ =	shalt  }
0x52: {  	_ =	shalt  }
0x53: {  	_ =	shalt  }
0x54: {  	_ =	shalt  }
0x55: {  	_ =	shalt  }
0x56: {  	_ =	shalt  }
0x57: {  	_ =	shalt  }
0x58: {  	_ =	shalt  }
0x59: {  	_ =	shalt  }
0x5a: {  	_ =	shalt  }
0x5b: {  	_ =	shalt  }
0x5c: {  	_ =	shalt  }
0x5d: {  	_ =	shalt  }
0x5e: {  	_ =	shalt  }
0x5f: {  	_ =	shalt  }
0x60: {  	_ =	shalt  }
0x61: {  	_ =	shalt  }
0x62: {  	_ =	shalt  }
0x63: {  	_ =	shalt  }
0x64: {  	_ =	shalt  }
0x65: {  	_ =	shalt  }
0x66: {  	_ =	shalt  }
0x67: {  	_ =	shalt  }
0x68: {  	_ =	shalt  }
0x69: {  	_ =	shalt  }
0x6a: {  	_ =	shalt  }
0x6b: {  	_ =	shalt  }
0x6c: {  	_ =	shalt  }
0x6d: {  	_ =	shalt  }
0x6e: {  	_ =	shalt  }
0x6f: {  	_ =	shalt  }
0x70: {  	_ =	shalt  }
0x71: {  	_ =	shalt  }
0x72: {  	_ =	shalt  }
0x73: {  	_ =	shalt  }
0x74: {  	_ =	shalt  }
0x75: {  	_ =	shalt  }
0x76: {  	_ =	shalt  }
0x77: {  	_ =	shalt  }
0x78: {  	_ =	shalt  }
0x79: {  	_ =	shalt  }
0x7a: {  	_ =	shalt  }
0x7b: {  	_ =	shalt  }
0x7c: {  	_ =	shalt  }
0x7d: {  	_ =	shalt  }
0x7e: {  	_ =	shalt  }
0x7f: {  	_ =	shalt  }
0x80: {  	_ =	shalt  }
0x81: {  	_ =	shalt  }
0x82: {  	_ =	shalt  }
0x83: {  	_ =	shalt  }
0x84: {  	_ =	shalt  }
0x85: {  	_ =	shalt  }
0x86: {  	_ =	shalt  }
0x87: {  	_ =	shalt  }
.Lfunc_end0:
.L_simem_size_0:
called_computation.2_lowered:
.L_overlay_start_0:
0x88: {  	s2 =	sld [smem:$0x3FD9]  }
0x89: {  	s3 =	sld [smem:$0x3FFE];
	_ =	sdelay $0x1  }
0x8a: {  	s1 =	srdreg.scid  }
0x8b: {  	s0 =	sand.u32 $0x1, s1  }
0x8c: {  	s16 =	sshll.u32 s0, $0xA;
	s2 =	sadd.s32 s3, s2  }
0x8d: {  	s2 =	sadd.s32 s2, s16  }
0x8e: {  	[smem:$0x3FB5] =	sst s2  }
0x8f: {  	_ = 	snop  }
0x90: {  	(tm) =	ssettm $0x1  }
0x91: {  	s17 =	sld [smem:$0x3FFB];
	_ =	sdelay $0x3  }
0x92: {  	_ =	strace s17  }
0x93: {  	s2 =	sld [smem:$0x3FFC];
	_ =	sdelay $0x3  }
0x94: {  	_ =	strace s2  }
0x95: {  	s2 =	sld [smem:$0x3FFD];
	_ =	sdelay $0x3  }
0x96: {  	_ =	strace s2  }
0x97: {  	_ =	strace $0x8FFFFFFF  }
0x98: {  	s18 =	sld [smem:$0x3FDB];
	_ =	sdelay $0x1  }
0x99: {  	s19 =	simm.s32 $_scs_section_size  }
0x9a: {  	s4 =	simm.s32 $_size__tile_overlayer_lowered;
	s5 =	simm.s32 $_tile_overlayer_lowered  }
0x9b: {  	s22 =	simm.s32 $0x1BFF;
	s21 =	sshll.u32 s5, $0x1;
	s2 =	sadd.s32 s19, s18  }
0x9c: {  	s6 =	simm.s32 $0x0;
	s20 =	sshll.u32 s4, $0x1;
	s4 =	sadd.s32 s21, s2  }
0x9d: {  	[timem:s6], [sflag:s22] =	dma.local [hbm:s4], s20  }
0x9e: {  	_ =	swait.ge [sflag:s22], s20  }
0x9f: {  	s3 =	ssub.s32 $0x0, s20;
	[sflag:s22] =	ssyncset.done $0x0  }
0xa0: {  	[sflag:s22] =	ssyncadd.s32 s3;
	_ =	sdelay $0x1  }
0xa1: {  	s23 =	simm.s32 $0x1B8B  }
0xa2: {  	_ =	swait.ge [sflag:s23], $0x1  }
0xa3: {  	[sflag:s23] =	ssyncset.done $0x0  }
0xa4: {  	s25 =	simm.s32 $0x1B8E;
	s24 =	sld [smem:$0x3FFE];
	[sflag:s23] =	ssyncadd.s32 $0xFFFFFFFF  }
0xa5: {  	s26 =	simm.s32 $execute0_lowered;
	[smem:$0x3FD2] =	sst s25  }
0xa6: {  	s4 =	sshll.u32 s26, $0x1;
	_ =	strace $0x8000004C;
	[dreg:$0x1] =	wrdreg $0xFFFFFFFF  }
0xa7: {  	s28 =	simm.s32 $_size_execute0_lowered;
	s2 =	sadd.s32 s2, s4;
	[dreg:$0x0] =	wrdreg $0x0  }
0xa8: {  	s4 =	sshll.u32 s28, $0x1;
	[dreg:$0x2] =	wrdreg s2  }
0xa9: {  	[dreg:$0x3] =	wrdreg s4  }
0xaa: {  	[dreg:$0x4] =	wrdreg $0xC0  }
0xab: {  	_ =	task [dreg:s6], $0x5FFFF  }
0xac: {  	[dreg:$0x1] =	wrdreg $0xFFFFFFFF  }
0xad: {  	[dreg:$0x0] =	wrdreg $0x60  }
0xae: {  	[dreg:$0x2] =	wrdreg s24  }
0xaf: {  	[dreg:$0x3] =	wrdreg $0x9  }
0xb0: {  	_ =	task.clear_ibuf [dreg:s6], $0x4FFFF;
	_ =	strace $0x9000004C  }
0xb1: {  	s29 =	simm.s32 $0x9;
	_ =	strace $0x8000004E  }
0xb2: {  	_ =	swait.ge [sflag:s29], $0x1  }
0xb3: {  	[sflag:s29] =	ssyncadd.s32 $0xFFFFFFFF  }
0xb4: {  	_ =	strace $0x9000004E  }
0xb5: {  	_ =	sfence  }
0xb6: {  	s30 =	sld [smem:$0x0];
	_ =	sdelay $0x2  }
0xb7: {  	s31 =	sshll.u32 s1, $0xD;
	s1 =	sshrl.u32 s1, $0x2  }
0xb8: {  	s3 =	sand.u32 $0x4000, s31;
	s1 =	sadd.s32 s1, s30  }
0xb9: {  	s0 =	sor.u32 s3, s0;
	s1 =	sshll.u32 s1, $0x11  }
0xba: {  	s0 =	sor.u32 s1, s0  }
0xbb: {  	s0 =	sadd.s32 $0x8F2B, s0  }
0xbc: {  	[sflag:s0] =	ssyncadd.remote.s32 $0x1  }
0xbd: {  	_ =	sfence.sel $0xFFFF  }
0xbe: {  	[dreg:$0x0] =	wrdreg $0xFFFFFFFF;
	(pc) =	sbr.abs _section_cstart, $3  }
0xbf: {  	[dreg:$0x1] =	wrdreg $0xFFFFFFFF  }
0xc0: {  	_ =	task.clear_ibuf [dreg:s6], $0x2FFFF;
	_ =	strace $0x9FFFFFFF  }
0xc1: {  	(tm) =	ssettm $0x7FFFFFFF  }
tec
execute0_lowered:
.L_overlay_start_1:
0x0: {  	(tag) =	ssettag $0x1  }
0x1: {  	s4 =	rddreg [dreg:$0x0]  }
0x2: {  	s0 =	rddreg [dreg:$0x1];
	s2 =	simm.s32 $0x0;
	s3 =	srdreg.scid  }
0x3: {  	s1 =	stileid.u32;
	s10 =	simm.s32 $0x0;
	[smem:$0x7FF] =	sst s2  }
0x4: {  	s5 =	sand.u32 $0x1, s3;
	s6 =	sshll.u32 s1, $0xD;
	s3 =	sadd.s32 $0x4E00, s4  }
0x5: {  	s8 =	sshll.u32 s1, $0x11;
	_ =	strace $0x8000004D;
	s7 =	sshll.u32 s5, $0xC  }
0x6: {  	s31 =	ssub.s32 $0x2, s5;
	s8 =	sadd.s32 s8, s4;
	s5 =	sshll.u32 s5, $0x10  }
0x7: {  	s6 =	sor.u32 s7, s6;
	s9 =	sshrl.u32 s31, $0x1;
	s5 =	sadd.s32 s5, s8  }
0x8: {  	s8 =	simm.s32 $0x80;
	s6 =	sshrl.u32 s6, $0x3;
	s7 =	ssub.s32 s31, s9  }
0x9: {  	s5 =	sadd.s32 $0x28E00, s5;
	s9 =	simm.s32 $0x1;
	s6 =	sadd.s32 s6, s4  }
0xa: {  	s4 =	smax.u32 s7, $0x1;
	s7 =	simm.s32 $0x2;
	s6 =	sadd.s32 $0x24E00, s6  }
.LBB2_1:
0xb: {  	s11 =	sadd.s32 $0x0, s6  }
0xc: {  	[tilespmem:s2], [sflag:$0x2] =	stream.linear.gather [hbm4b:s11+s2], $0x80, $0x38;
	[tilespmem:$0x4080] =	vst v63  }
0xd: {  	_ =	swait.ge [sflag:s7], $0x80  }
0xe: {  	[sflag:s7] =	ssyncset.done $0x0  }
0xf: {  	[sflag:s7] =	ssyncadd.s32 $0xFFFFFF80  }
0x10: {  	[tilespmem:s8], [sflag:$0x1] =	stream.indirect.gather [hbm4b:s3+s8], $0x80, s2, s8, $0xb8;
	[tilespmem:$0x4080] =	vst v63  }
0x11: {  	_ =	swait.ge [sflag:s9], $0x4000  }
0x12: {  	[sflag:s9] =	ssyncset.done $0x0  }
0x13: {  	[sflag:s9] =	ssyncadd.s32 $0xFFFFC000  }
0x14: {  	[hbm4b:s5+s2] =	stream.linear.scatter [tilespmem:s8], [sflag:$0x2], $0x4000, $0x38;
	[tilespmem:$0x4080] =	vst v63  }
0x15: {  	s12 =	simm.s32 $0x10;
	_ =	swait.ge [sflag:s7], $0x4000  }
0x16: {  	s13 =	simm.s32 $0x20;
	s11 =	sadd.s32 $0x800, s5;
	[sflag:s7] =	ssyncset.done $0x0  }
.LBB2_2:
0x17: {  	s14 =	sadd.s32 s12, s6  }
0x18: {  	[sflag:s7] =	ssyncadd.s32 $0xFFFFC000;
	s12 =	smov.u32 s13;
	s15 =	sadd.s32 $0x10, s13  }
0x19: {  	[tilespmem:s2], [sflag:$0x2] =	stream.linear.gather [hbm4b:s14+s2], $0x80, $0x38;
	[tilespmem:$0x4080] =	vst v63  }
0x1a: {  	p0 =	sne.s32 s13, $0x1F0;
	_ =	swait.ge [sflag:s7], $0x80  }
0x1b: {  	[sflag:s7] =	ssyncset.done $0x0  }
0x1c: {  	[sflag:s7] =	ssyncadd.s32 $0xFFFFFF80  }
0x1d: {  	[tilespmem:s8], [sflag:$0x1] =	stream.indirect.gather [hbm4b:s3+s8], $0x80, s2, s8, $0xb8;
	[tilespmem:$0x4080] =	vst v63  }
0x1e: {  	_ =	swait.ge [sflag:s9], $0x4000  }
.Ltmp0:
0x1f: {  	[sflag:s9] =	ssyncset.done $0x0;
	(pc) =	sbr.rel @p0 .LBB2_2-.Ltmp0, $4  }
0x20: {  	[sflag:s9] =	ssyncadd.s32 $0xFFFFC000  }
0x21: {  	[hbm4b:s11+s2] =	stream.linear.scatter [tilespmem:s8], [sflag:$0x2], $0x4000, $0x38;
	[tilespmem:$0x4080] =	vst v63  }
0x22: {  	_ =	swait.ge [sflag:s7], $0x4000  }
0x23: {  	s13 =	smov.u32 s15;
	s11 =	sadd.s32 $0x800, s11;
	[sflag:s7] =	ssyncset.done $0x0  }
0x24: {  	s12 =	sadd.s32 s12, s6;
	[sflag:s7] =	ssyncadd.s32 $0xFFFFC000  }
0x25: {  	[tilespmem:s2], [sflag:$0x2] =	stream.linear.gather [hbm4b:s12+s2], $0x80, $0x38;
	[tilespmem:$0x4080] =	vst v63  }
0x26: {  	_ =	swait.ge [sflag:s7], $0x80  }
0x27: {  	[sflag:s7] =	ssyncset.done $0x0  }
0x28: {  	[sflag:s7] =	ssyncadd.s32 $0xFFFFFF80  }
0x29: {  	[tilespmem:s8], [sflag:$0x1] =	stream.indirect.gather [hbm4b:s3+s8], $0x80, s2, s8, $0xb8;
	[tilespmem:$0x4080] =	vst v63  }
0x2a: {  	s10 =	sadd.s32 $0x1, s10;
	_ =	swait.ge [sflag:s9], $0x4000  }
0x2b: {  	p0 =	sne.s32 s10, s4;
	[sflag:s9] =	ssyncset.done $0x0  }
.Ltmp1:
0x2c: {  	[sflag:s9] =	ssyncadd.s32 $0xFFFFC000;
	(pc) =	sbr.rel @p0 .LBB2_1-.Ltmp1, $4  }
0x2d: {  	[hbm4b:s11+s2] =	stream.linear.scatter [tilespmem:s8], [sflag:$0x2], $0x4000, $0x38;
	[tilespmem:$0x4080] =	vst v63  }
0x2e: {  	_ =	swait.ge [sflag:s7], $0x4000  }
0x2f: {  	[sflag:s7] =	ssyncset.done $0x0  }
0x30: {  	[sflag:s7] =	ssyncadd.s32 $0xFFFFC000  }
0x31: {  	_ =	sfence.sel $0x180000  }
0x32: {  	[bflag:$0x0] =	sbarrier.arrive $0xFFFF  }
0x33: {  	p0 =	sne.s32 s1, $0x0;
	_ =	strace $0x9000004D  }
0x34: {  	s0 =	sadd.s32 @!p0 $0x100000, s0;
	[bflag:$0x2] =	sbarrier.arrive $0xFFFF  }
0x35: {  	[sflag:s0] =	ssyncadd.tile.s32 @!p0 $0x1;
	_ =	shalt  }
.Lfunc_end2:
_tile_overlayer_lowered:
.L_overlay_start_2:
0x36: {  	(tag) =	ssettag $0x2  }
0x37: {  	s0 =	rddreg [dreg:$0x0];
	s2 =	stileid.u32  }
0x38: {  	s1 =	rddreg [dreg:$0x1];
	p0 =	sne.s32 s2, $0x0  }
0x39: {  	s3 =	rddreg [dreg:$0x2];
	[bflag:$0x3] =	sbarrier.arrive $0xFFFF;
	s2 =	simm.s32 @!p0 $0x1C02  }
0x3a: {  	[timem:s3], [sflag:s2] =	dma.local @!p0 [hbm:s0], s1  }
0x3b: {  	s0 =	simm.s32 @!p0 $0x2  }
0x3c: {  	_ =	swait.ge @!p0 [sflag:s0], s1  }
0x3d: {  	s1 =	ssub.s32 @!p0 $0x0, s1;
	[sflag:s0] =	ssyncset.done @!p0 $0x0  }
0x3e: {  	[sflag:s0] =	ssyncadd.s32 @!p0 s1  }
0x3f: {  	[bflag:$0x3] =	sbarrier.arrive $0xFFFF  }
0x40: {  	_ =	shalt  }

</sc_bundles>
